<compile_context>
chip_gen: v7x
topology: tpu7x:2x2x1
jax: 0.10.2.dev20260603
libtpu: 0.0.44.dev20260713+nightly
codegen_flags: <defaults>
</compile_context>

<pallas_src>
import jax
import jax.numpy as jnp
from jax import lax
from jax.experimental import pallas as pl
from jax.experimental.pallas import tpu as pltpu
from jax.experimental.pallas import tpu_sc as plsc

_B, _F, _C = 1024, 26, 1000
_N = _F * _C
_NW = 32
_RCH = 40
_NCHT = _N // _RCH
_PAIRS = _NCHT // (2 * _NW)
_TAILW = _NCHT - 2 * _PAIRS * _NW


def _sc_body(cidxT_hbm, out_hbm, cidx, bufs, sems):
    wid = lax.axis_index("s") * 2 + lax.axis_index("c")
    ones = jnp.ones((16,), jnp.int32)
    zeros = jnp.zeros((16,), jnp.int32)
    i16 = lax.iota(jnp.int32, 16)

    def _zero(s):
        def _zb(r, carry):
            for g in range(_B // 16):
                bufs[s][r, pl.ds(g * 16, 16)] = zeros
            return carry
        lax.fori_loop(0, _RCH, _zb, None)

    def _scatter(s, j0, val):
        def _g(gg, carry):
            for u in range(4):
                g = gg * 4 + u
                bvec = g * 16 + i16
                cvec = cidx[s][pl.ds(pl.multiple_of(g * 16, 16), 16)]
                m = (cvec >= j0) & (cvec < j0 + _RCH)
                plsc.store_scatter(bufs[s], [cvec - j0, bvec], val, mask=m)
            return carry
        lax.fori_loop(0, _B // 64, _g, None)

    def _wait(s, j0p):
        pltpu.make_async_copy(
            bufs[s], out_hbm.at[pl.ds(j0p, _RCH)], sems[s]).wait()

    def _chunk(s, k):
        ci = wid + k * _NW
        j0 = ci * _RCH

        @pl.when(k > 1)
        def _drain():
            j0p = j0 - 2 * _NW * _RCH
            _wait(s, j0p)
            _scatter(s, j0p, zeros)

        pltpu.sync_copy(cidxT_hbm.at[j0 // _C], cidx[s])
        _scatter(s, j0, ones)
        pltpu.async_copy(bufs[s], out_hbm.at[pl.ds(j0, _RCH)], sems[s])

    _zero(0)
    _chunk(0, 0)
    _zero(1)

    def _pair(t, carry):
        _chunk(1, 2 * t + 1)
        _chunk(0, 2 * t + 2)
        return carry

    lax.fori_loop(0, _PAIRS - 1, _pair, None)
    _chunk(1, 2 * _PAIRS - 1)

    @pl.when(wid < _TAILW)
    def _tail():
        _chunk(0, 2 * _PAIRS)

    _wait(0, (wid + jnp.where(wid < _TAILW, 2 * _PAIRS, 2 * _PAIRS - 2)
              * _NW) * _RCH)
    _wait(1, (wid + (2 * _PAIRS - 1) * _NW) * _RCH)


def kernel(x):
    colidxT = (x + jnp.arange(_F, dtype=jnp.int32) * _C).T
    fn = pl.kernel(
        _sc_body,
        out_type=jax.ShapeDtypeStruct((_N, _B), jnp.int32),
        mesh=plsc.VectorSubcoreMesh(core_axis_name="c", subcore_axis_name="s"),
        scratch_types=[
            (pltpu.VMEM((_B,), jnp.int32), pltpu.VMEM((_B,), jnp.int32)),
            (pltpu.VMEM((_RCH, _B), jnp.int32),
             pltpu.VMEM((_RCH, _B), jnp.int32)),
            (pltpu.SemaphoreType.DMA, pltpu.SemaphoreType.DMA),
        ],
        compiler_params=pltpu.CompilerParams(needs_layout_passes=False),
    )
    return fn(colidxT).T

# --- scband reference (transcript-rebuilt; emitter-appended) ---
"""Pipeline reference for scband-one-hot-72421738545169 (READ-ONLY COPY).

The authoritative reference and input builder live on the scoring server;
editing this copy changes nothing except your own understanding.
"""

import jax, jax.numpy as jnp
import numpy as np

NUM_CLASSES = 1000

def setup_inputs(seed: int = 0) -> dict:
    key = jax.random.key(seed)
    x = jax.random.randint(key, (1024, 26), 0, NUM_CLASSES, dtype=jnp.int32)
    return {"x": x}

def reference(x):
    # torch.nn.functional.one_hot(x, num_classes) -> int tensor [B, F, C]
    oh = (x[..., None] == jnp.arange(NUM_CLASSES, dtype=x.dtype)).astype(jnp.int32)
    # reshape(x.shape[0], -1) -> [B, F*C]
    return oh.reshape(x.shape[0], -1)

if __name__ == "__main__":
    import jax
    _d = setup_inputs()
    print(jax.jit(kernel)(*tuple(_d.values())))

</pallas_src>

<mosaic_0001>
#map = affine_map<(d0, d1) -> (0, 0)>
module attributes {stable_mosaic.version = 14 : i64} {
  func.func @_sc_body(%arg0: i32, %arg1: i32, %arg2: memref<26x1024xi32, #tpu.memory_space<hbm>>, %arg3: memref<26000x1024xi32, #tpu.memory_space<hbm>>, %arg4: memref<1024xi32, #tpu.memory_space<vmem>>, %arg5: memref<1024xi32, #tpu.memory_space<vmem>>, %arg6: memref<40x1024xi32, #tpu.memory_space<vmem>>, %arg7: memref<40x1024xi32, #tpu.memory_space<vmem>>, %arg8: memref<!tpu.dma_semaphore, #tpu.memory_space<semaphore_mem>>, %arg9: memref<!tpu.dma_semaphore, #tpu.memory_space<semaphore_mem>>) attributes {dimension_semantics = [#tpu.dimension_semantics<core_parallel>, #tpu.dimension_semantics<subcore_parallel>], iteration_bounds = array<i64: 2, 16>, scalar_prefetch = 0 : i64, scratch_operands = 6 : i64, tpu.core_type = #tpu.core_type<sc_vector_subcore>, window_params = [{transform_indices = #map}, {transform_indices = #map}]} {
    %mul3A = arith.constant 2 : i32
    %mul3A_0 = arith.muli %arg1, %mul3A : i32
    %add3A = arith.addi %mul3A_0, %arg0 : i32
    %broadcast_in_dim3A = arith.constant 1 : i32
    %broadcast_in_dim3A_1 = vector.broadcast %broadcast_in_dim3A : i32 to vector<16xi32>
    %broadcast_in_dim3A_2 = arith.constant 0 : i32
    %broadcast_in_dim3A_3 = vector.broadcast %broadcast_in_dim3A_2 : i32 to vector<16xi32>
    %iota3A = tpu.iota {dimensions = array<i32: 0>} : vector<16xi32>
    %scan3A = arith.constant 0 : i32
    %scan3A_4 = arith.constant 40 : i32
    %scan3A_5 = arith.addi %scan3A, %scan3A_4 : i32
    %scan3A_6 = arith.constant 1 : i32
    scf.for %scan3A_117 = %scan3A to %scan3A_5 step %scan3A_6  : i32 {
      %swap3A = arith.index_cast %scan3A_117 : i32 to index
      %swap3A_118 = arith.constant 0 : index
      %swap3A_119 = tpu.vector_load %arg6[%swap3A, %swap3A_118] {strides = array<i32>} : memref<40x1024xi32, #tpu.memory_space<vmem>>, vector<16xi32>,
      tpu.vector_store %arg6[%swap3A, %swap3A_118], %broadcast_in_dim3A_3 {strides = array<i32>} : memref<40x1024xi32, #tpu.memory_space<vmem>>, vector<16xi32>,
      %swap3A_120 = arith.index_cast %scan3A_117 : i32 to index
      %swap3A_121 = arith.constant 16 : index
      %swap3A_122 = tpu.vector_load %arg6[%swap3A_120, %swap3A_121] {strides = array<i32>} : memref<40x1024xi32, #tpu.memory_space<vmem>>, vector<16xi32>,
      tpu.vector_store %arg6[%swap3A_120, %swap3A_121], %broadcast_in_dim3A_3 {strides = array<i32>} : memref<40x1024xi32, #tpu.memory_space<vmem>>, vector<16xi32>,
      %swap3A_123 = arith.index_cast %scan3A_117 : i32 to index
      %swap3A_124 = arith.constant 32 : index
      %swap3A_125 = tpu.vector_load %arg6[%swap3A_123, %swap3A_124] {strides = array<i32>} : memref<40x1024xi32, #tpu.memory_space<vmem>>, vector<16xi32>,
      tpu.vector_store %arg6[%swap3A_123, %swap3A_124], %broadcast_in_dim3A_3 {strides = array<i32>} : memref<40x1024xi32, #tpu.memory_space<vmem>>, vector<16xi32>,
      %swap3A_126 = arith.index_cast %scan3A_117 : i32 to index
      %swap3A_127 = arith.constant 48 : index
      %swap3A_128 = tpu.vector_load %arg6[%swap3A_126, %swap3A_127] {strides = array<i32>} : memref<40x1024xi32, #tpu.memory_space<vmem>>, vector<16xi32>,
      tpu.vector_store %arg6[%swap3A_126, %swap3A_127], %broadcast_in_dim3A_3 {strides = array<i32>} : memref<40x1024xi32, #tpu.memory_space<vmem>>, vector<16xi32>,
      %swap3A_129 = arith.index_cast %scan3A_117 : i32 to index
      %swap3A_130 = arith.constant 64 : index
      %swap3A_131 = tpu.vector_load %arg6[%swap3A_129, %swap3A_130] {strides = array<i32>} : memref<40x1024xi32, #tpu.memory_space<vmem>>, vector<16xi32>,
      tpu.vector_store %arg6[%swap3A_129, %swap3A_130], %broadcast_in_dim3A_3 {strides = array<i32>} : memref<40x1024xi32, #tpu.memory_space<vmem>>, vector<16xi32>,
      %swap3A_132 = arith.index_cast %scan3A_117 : i32 to index
      %swap3A_133 = arith.constant 80 : index
      %swap3A_134 = tpu.vector_load %arg6[%swap3A_132, %swap3A_133] {strides = array<i32>} : memref<40x1024xi32, #tpu.memory_space<vmem>>, vector<16xi32>,
      tpu.vector_store %arg6[%swap3A_132, %swap3A_133], %broadcast_in_dim3A_3 {strides = array<i32>} : memref<40x1024xi32, #tpu.memory_space<vmem>>, vector<16xi32>,
      %swap3A_135 = arith.index_cast %scan3A_117 : i32 to index
      %swap3A_136 = arith.constant 96 : index
      %swap3A_137 = tpu.vector_load %arg6[%swap3A_135, %swap3A_136] {strides = array<i32>} : memref<40x1024xi32, #tpu.memory_space<vmem>>, vector<16xi32>,
      tpu.vector_store %arg6[%swap3A_135, %swap3A_136], %broadcast_in_dim3A_3 {strides = array<i32>} : memref<40x1024xi32, #tpu.memory_space<vmem>>, vector<16xi32>,
      %swap3A_138 = arith.index_cast %scan3A_117 : i32 to index
      %swap3A_139 = arith.constant 112 : index
      %swap3A_140 = tpu.vector_load %arg6[%swap3A_138, %swap3A_139] {strides = array<i32>} : memref<40x1024xi32, #tpu.memory_space<vmem>>, vector<16xi32>,
      tpu.vector_store %arg6[%swap3A_138, %swap3A_139], %broadcast_in_dim3A_3 {strides = array<i32>} : memref<40x1024xi32, #tpu.memory_space<vmem>>, vector<16xi32>,
      %swap3A_141 = arith.index_cast %scan3A_117 : i32 to index
      %swap3A_142 = arith.constant 128 : index
      %swap3A_143 = tpu.vector_load %arg6[%swap3A_141, %swap3A_142] {strides = array<i32>} : memref<40x1024xi32, #tpu.memory_space<vmem>>, vector<16xi32>,
      tpu.vector_store %arg6[%swap3A_141, %swap3A_142], %broadcast_in_dim3A_3 {strides = array<i32>} : memref<40x1024xi32, #tpu.memory_space<vmem>>, vector<16xi32>,
      %swap3A_144 = arith.index_cast %scan3A_117 : i32 to index
      %swap3A_145 = arith.constant 144 : index
      %swap3A_146 = tpu.vector_load %arg6[%swap3A_144, %swap3A_145] {strides = array<i32>} : memref<40x1024xi32, #tpu.memory_space<vmem>>, vector<16xi32>,
      tpu.vector_store %arg6[%swap3A_144, %swap3A_145], %broadcast_in_dim3A_3 {strides = array<i32>} : memref<40x1024xi32, #tpu.memory_space<vmem>>, vector<16xi32>,
      %swap3A_147 = arith.index_cast %scan3A_117 : i32 to index
      %swap3A_148 = arith.constant 160 : index
      %swap3A_149 = tpu.vector_load %arg6[%swap3A_147, %swap3A_148] {strides = array<i32>} : memref<40x1024xi32, #tpu.memory_space<vmem>>, vector<16xi32>,
      tpu.vector_store %arg6[%swap3A_147, %swap3A_148], %broadcast_in_dim3A_3 {strides = array<i32>} : memref<40x1024xi32, #tpu.memory_space<vmem>>, vector<16xi32>,
      %swap3A_150 = arith.index_cast %scan3A_117 : i32 to index
      %swap3A_151 = arith.constant 176 : index
      %swap3A_152 = tpu.vector_load %arg6[%swap3A_150, %swap3A_151] {strides = array<i32>} : memref<40x1024xi32, #tpu.memory_space<vmem>>, vector<16xi32>,
      tpu.vector_store %arg6[%swap3A_150, %swap3A_151], %broadcast_in_dim3A_3 {strides = array<i32>} : memref<40x1024xi32, #tpu.memory_space<vmem>>, vector<16xi32>,
      %swap3A_153 = arith.index_cast %scan3A_117 : i32 to index
      %swap3A_154 = arith.constant 192 : index
      %swap3A_155 = tpu.vector_load %arg6[%swap3A_153, %swap3A_154] {strides = array<i32>} : memref<40x1024xi32, #tpu.memory_space<vmem>>, vector<16xi32>,
      tpu.vector_store %arg6[%swap3A_153, %swap3A_154], %broadcast_in_dim3A_3 {strides = array<i32>} : memref<40x1024xi32, #tpu.memory_space<vmem>>, vector<16xi32>,
      %swap3A_156 = arith.index_cast %scan3A_117 : i32 to index
      %swap3A_157 = arith.constant 208 : index
      %swap3A_158 = tpu.vector_load %arg6[%swap3A_156, %swap3A_157] {strides = array<i32>} : memref<40x1024xi32, #tpu.memory_space<vmem>>, vector<16xi32>,
      tpu.vector_store %arg6[%swap3A_156, %swap3A_157], %broadcast_in_dim3A_3 {strides = array<i32>} : memref<40x1024xi32, #tpu.memory_space<vmem>>, vector<16xi32>,
      %swap3A_159 = arith.index_cast %scan3A_117 : i32 to index
      %swap3A_160 = arith.constant 224 : index
      %swap3A_161 = tpu.vector_load %arg6[%swap3A_159, %swap3A_160] {strides = array<i32>} : memref<40x1024xi32, #tpu.memory_space<vmem>>, vector<16xi32>,
      tpu.vector_store %arg6[%swap3A_159, %swap3A_160], %broadcast_in_dim3A_3 {strides = array<i32>} : memref<40x1024xi32, #tpu.memory_space<vmem>>, vector<16xi32>,
      %swap3A_162 = arith.index_cast %scan3A_117 : i32 to index
      %swap3A_163 = arith.constant 240 : index
      %swap3A_164 = tpu.vector_load %arg6[%swap3A_162, %swap3A_163] {strides = array<i32>} : memref<40x1024xi32, #tpu.memory_space<vmem>>, vector<16xi32>,
      tpu.vector_store %arg6[%swap3A_162, %swap3A_163], %broadcast_in_dim3A_3 {strides = array<i32>} : memref<40x1024xi32, #tpu.memory_space<vmem>>, vector<16xi32>,
      %swap3A_165 = arith.index_cast %scan3A_117 : i32 to index
      %swap3A_166 = arith.constant 256 : index
      %swap3A_167 = tpu.vector_load %arg6[%swap3A_165, %swap3A_166] {strides = array<i32>} : memref<40x1024xi32, #tpu.memory_space<vmem>>, vector<16xi32>,
      tpu.vector_store %arg6[%swap3A_165, %swap3A_166], %broadcast_in_dim3A_3 {strides = array<i32>} : memref<40x1024xi32, #tpu.memory_space<vmem>>, vector<16xi32>,
      %swap3A_168 = arith.index_cast %scan3A_117 : i32 to index
      %swap3A_169 = arith.constant 272 : index
      %swap3A_170 = tpu.vector_load %arg6[%swap3A_168, %swap3A_169] {strides = array<i32>} : memref<40x1024xi32, #tpu.memory_space<vmem>>, vector<16xi32>,
      tpu.vector_store %arg6[%swap3A_168, %swap3A_169], %broadcast_in_dim3A_3 {strides = array<i32>} : memref<40x1024xi32, #tpu.memory_space<vmem>>, vector<16xi32>,
      %swap3A_171 = arith.index_cast %scan3A_117 : i32 to index
      %swap3A_172 = arith.constant 288 : index
      %swap3A_173 = tpu.vector_load %arg6[%swap3A_171, %swap3A_172] {strides = array<i32>} : memref<40x1024xi32, #tpu.memory_space<vmem>>, vector<16xi32>,
      tpu.vector_store %arg6[%swap3A_171, %swap3A_172], %broadcast_in_dim3A_3 {strides = array<i32>} : memref<40x1024xi32, #tpu.memory_space<vmem>>, vector<16xi32>,
      %swap3A_174 = arith.index_cast %scan3A_117 : i32 to index
      %swap3A_175 = arith.constant 304 : index
      %swap3A_176 = tpu.vector_load %arg6[%swap3A_174, %swap3A_175] {strides = array<i32>} : memref<40x1024xi32, #tpu.memory_space<vmem>>, vector<16xi32>,
      tpu.vector_store %arg6[%swap3A_174, %swap3A_175], %broadcast_in_dim3A_3 {strides = array<i32>} : memref<40x1024xi32, #tpu.memory_space<vmem>>, vector<16xi32>,
      %swap3A_177 = arith.index_cast %scan3A_117 : i32 to index
      %swap3A_178 = arith.constant 320 : index
      %swap3A_179 = tpu.vector_load %arg6[%swap3A_177, %swap3A_178] {strides = array<i32>} : memref<40x1024xi32, #tpu.memory_space<vmem>>, vector<16xi32>,
      tpu.vector_store %arg6[%swap3A_177, %swap3A_178], %broadcast_in_dim3A_3 {strides = array<i32>} : memref<40x1024xi32, #tpu.memory_space<vmem>>, vector<16xi32>,
      %swap3A_180 = arith.index_cast %scan3A_117 : i32 to index
      %swap3A_181 = arith.constant 336 : index
      %swap3A_182 = tpu.vector_load %arg6[%swap3A_180, %swap3A_181] {strides = array<i32>} : memref<40x1024xi32, #tpu.memory_space<vmem>>, vector<16xi32>,
      tpu.vector_store %arg6[%swap3A_180, %swap3A_181], %broadcast_in_dim3A_3 {strides = array<i32>} : memref<40x1024xi32, #tpu.memory_space<vmem>>, vector<16xi32>,
      %swap3A_183 = arith.index_cast %scan3A_117 : i32 to index
      %swap3A_184 = arith.constant 352 : index
      %swap3A_185 = tpu.vector_load %arg6[%swap3A_183, %swap3A_184] {strides = array<i32>} : memref<40x1024xi32, #tpu.memory_space<vmem>>, vector<16xi32>,
      tpu.vector_store %arg6[%swap3A_183, %swap3A_184], %broadcast_in_dim3A_3 {strides = array<i32>} : memref<40x1024xi32, #tpu.memory_space<vmem>>, vector<16xi32>,
      %swap3A_186 = arith.index_cast %scan3A_117 : i32 to index
      %swap3A_187 = arith.constant 368 : index
      %swap3A_188 = tpu.vector_load %arg6[%swap3A_186, %swap3A_187] {strides = array<i32>} : memref<40x1024xi32, #tpu.memory_space<vmem>>, vector<16xi32>,
      tpu.vector_store %arg6[%swap3A_186, %swap3A_187], %broadcast_in_dim3A_3 {strides = array<i32>} : memref<40x1024xi32, #tpu.memory_space<vmem>>, vector<16xi32>,
      %swap3A_189 = arith.index_cast %scan3A_117 : i32 to index
      %swap3A_190 = arith.constant 384 : index
      %swap3A_191 = tpu.vector_load %arg6[%swap3A_189, %swap3A_190] {strides = array<i32>} : memref<40x1024xi32, #tpu.memory_space<vmem>>, vector<16xi32>,
      tpu.vector_store %arg6[%swap3A_189, %swap3A_190], %broadcast_in_dim3A_3 {strides = array<i32>} : memref<40x1024xi32, #tpu.memory_space<vmem>>, vector<16xi32>,
      %swap3A_192 = arith.index_cast %scan3A_117 : i32 to index
      %swap3A_193 = arith.constant 400 : index
      %swap3A_194 = tpu.vector_load %arg6[%swap3A_192, %swap3A_193] {strides = array<i32>} : memref<40x1024xi32, #tpu.memory_space<vmem>>, vector<16xi32>,
      tpu.vector_store %arg6[%swap3A_192, %swap3A_193], %broadcast_in_dim3A_3 {strides = array<i32>} : memref<40x1024xi32, #tpu.memory_space<vmem>>, vector<16xi32>,
      %swap3A_195 = arith.index_cast %scan3A_117 : i32 to index
      %swap3A_196 = arith.constant 416 : index
      %swap3A_197 = tpu.vector_load %arg6[%swap3A_195, %swap3A_196] {strides = array<i32>} : memref<40x1024xi32, #tpu.memory_space<vmem>>, vector<16xi32>,
      tpu.vector_store %arg6[%swap3A_195, %swap3A_196], %broadcast_in_dim3A_3 {strides = array<i32>} : memref<40x1024xi32, #tpu.memory_space<vmem>>, vector<16xi32>,
      %swap3A_198 = arith.index_cast %scan3A_117 : i32 to index
      %swap3A_199 = arith.constant 432 : index
      %swap3A_200 = tpu.vector_load %arg6[%swap3A_198, %swap3A_199] {strides = array<i32>} : memref<40x1024xi32, #tpu.memory_space<vmem>>, vector<16xi32>,
      tpu.vector_store %arg6[%swap3A_198, %swap3A_199], %broadcast_in_dim3A_3 {strides = array<i32>} : memref<40x1024xi32, #tpu.memory_space<vmem>>, vector<16xi32>,
      %swap3A_201 = arith.index_cast %scan3A_117 : i32 to index
      %swap3A_202 = arith.constant 448 : index
      %swap3A_203 = tpu.vector_load %arg6[%swap3A_201, %swap3A_202] {strides = array<i32>} : memref<40x1024xi32, #tpu.memory_space<vmem>>, vector<16xi32>,
      tpu.vector_store %arg6[%swap3A_201, %swap3A_202], %broadcast_in_dim3A_3 {strides = array<i32>} : memref<40x1024xi32, #tpu.memory_space<vmem>>, vector<16xi32>,
      %swap3A_204 = arith.index_cast %scan3A_117 : i32 to index
      %swap3A_205 = arith.constant 464 : index
      %swap3A_206 = tpu.vector_load %arg6[%swap3A_204, %swap3A_205] {strides = array<i32>} : memref<40x1024xi32, #tpu.memory_space<vmem>>, vector<16xi32>,
      tpu.vector_store %arg6[%swap3A_204, %swap3A_205], %broadcast_in_dim3A_3 {strides = array<i32>} : memref<40x1024xi32, #tpu.memory_space<vmem>>, vector<16xi32>,
      %swap3A_207 = arith.index_cast %scan3A_117 : i32 to index
      %swap3A_208 = arith.constant 480 : index
      %swap3A_209 = tpu.vector_load %arg6[%swap3A_207, %swap3A_208] {strides = array<i32>} : memref<40x1024xi32, #tpu.memory_space<vmem>>, vector<16xi32>,
      tpu.vector_store %arg6[%swap3A_207, %swap3A_208], %broadcast_in_dim3A_3 {strides = array<i32>} : memref<40x1024xi32, #tpu.memory_space<vmem>>, vector<16xi32>,
      %swap3A_210 = arith.index_cast %scan3A_117 : i32 to index
      %swap3A_211 = arith.constant 496 : index
      %swap3A_212 = tpu.vector_load %arg6[%swap3A_210, %swap3A_211] {strides = array<i32>} : memref<40x1024xi32, #tpu.memory_space<vmem>>, vector<16xi32>,
      tpu.vector_store %arg6[%swap3A_210, %swap3A_211], %broadcast_in_dim3A_3 {strides = array<i32>} : memref<40x1024xi32, #tpu.memory_space<vmem>>, vector<16xi32>,
      %swap3A_213 = arith.index_cast %scan3A_117 : i32 to index
      %swap3A_214 = arith.constant 512 : index
      %swap3A_215 = tpu.vector_load %arg6[%swap3A_213, %swap3A_214] {strides = array<i32>} : memref<40x1024xi32, #tpu.memory_space<vmem>>, vector<16xi32>,
      tpu.vector_store %arg6[%swap3A_213, %swap3A_214], %broadcast_in_dim3A_3 {strides = array<i32>} : memref<40x1024xi32, #tpu.memory_space<vmem>>, vector<16xi32>,
      %swap3A_216 = arith.index_cast %scan3A_117 : i32 to index
      %swap3A_217 = arith.constant 528 : index
      %swap3A_218 = tpu.vector_load %arg6[%swap3A_216, %swap3A_217] {strides = array<i32>} : memref<40x1024xi32, #tpu.memory_space<vmem>>, vector<16xi32>,
      tpu.vector_store %arg6[%swap3A_216, %swap3A_217], %broadcast_in_dim3A_3 {strides = array<i32>} : memref<40x1024xi32, #tpu.memory_space<vmem>>, vector<16xi32>,
      %swap3A_219 = arith.index_cast %scan3A_117 : i32 to index
      %swap3A_220 = arith.constant 544 : index
      %swap3A_221 = tpu.vector_load %arg6[%swap3A_219, %swap3A_220] {strides = array<i32>} : memref<40x1024xi32, #tpu.memory_space<vmem>>, vector<16xi32>,
      tpu.vector_store %arg6[%swap3A_219, %swap3A_220], %broadcast_in_dim3A_3 {strides = array<i32>} : memref<40x1024xi32, #tpu.memory_space<vmem>>, vector<16xi32>,
      %swap3A_222 = arith.index_cast %scan3A_117 : i32 to index
      %swap3A_223 = arith.constant 560 : index
      %swap3A_224 = tpu.vector_load %arg6[%swap3A_222, %swap3A_223] {strides = array<i32>} : memref<40x1024xi32, #tpu.memory_space<vmem>>, vector<16xi32>,
      tpu.vector_store %arg6[%swap3A_222, %swap3A_223], %broadcast_in_dim3A_3 {strides = array<i32>} : memref<40x1024xi32, #tpu.memory_space<vmem>>, vector<16xi32>,
      %swap3A_225 = arith.index_cast %scan3A_117 : i32 to index
      %swap3A_226 = arith.constant 576 : index
      %swap3A_227 = tpu.vector_load %arg6[%swap3A_225, %swap3A_226] {strides = array<i32>} : memref<40x1024xi32, #tpu.memory_space<vmem>>, vector<16xi32>,
      tpu.vector_store %arg6[%swap3A_225, %swap3A_226], %broadcast_in_dim3A_3 {strides = array<i32>} : memref<40x1024xi32, #tpu.memory_space<vmem>>, vector<16xi32>,
      %swap3A_228 = arith.index_cast %scan3A_117 : i32 to index
      %swap3A_229 = arith.constant 592 : index
      %swap3A_230 = tpu.vector_load %arg6[%swap3A_228, %swap3A_229] {strides = array<i32>} : memref<40x1024xi32, #tpu.memory_space<vmem>>, vector<16xi32>,
      tpu.vector_store %arg6[%swap3A_228, %swap3A_229], %broadcast_in_dim3A_3 {strides = array<i32>} : memref<40x1024xi32, #tpu.memory_space<vmem>>, vector<16xi32>,
      %swap3A_231 = arith.index_cast %scan3A_117 : i32 to index
      %swap3A_232 = arith.constant 608 : index
      %swap3A_233 = tpu.vector_load %arg6[%swap3A_231, %swap3A_232] {strides = array<i32>} : memref<40x1024xi32, #tpu.memory_space<vmem>>, vector<16xi32>,
      tpu.vector_store %arg6[%swap3A_231, %swap3A_232], %broadcast_in_dim3A_3 {strides = array<i32>} : memref<40x1024xi32, #tpu.memory_space<vmem>>, vector<16xi32>,
      %swap3A_234 = arith.index_cast %scan3A_117 : i32 to index
      %swap3A_235 = arith.constant 624 : index
      %swap3A_236 = tpu.vector_load %arg6[%swap3A_234, %swap3A_235] {strides = array<i32>} : memref<40x1024xi32, #tpu.memory_space<vmem>>, vector<16xi32>,
      tpu.vector_store %arg6[%swap3A_234, %swap3A_235], %broadcast_in_dim3A_3 {strides = array<i32>} : memref<40x1024xi32, #tpu.memory_space<vmem>>, vector<16xi32>,
      %swap3A_237 = arith.index_cast %scan3A_117 : i32 to index
      %swap3A_238 = arith.constant 640 : index
      %swap3A_239 = tpu.vector_load %arg6[%swap3A_237, %swap3A_238] {strides = array<i32>} : memref<40x1024xi32, #tpu.memory_space<vmem>>, vector<16xi32>,
      tpu.vector_store %arg6[%swap3A_237, %swap3A_238], %broadcast_in_dim3A_3 {strides = array<i32>} : memref<40x1024xi32, #tpu.memory_space<vmem>>, vector<16xi32>,
      %swap3A_240 = arith.index_cast %scan3A_117 : i32 to index
      %swap3A_241 = arith.constant 656 : index
      %swap3A_242 = tpu.vector_load %arg6[%swap3A_240, %swap3A_241] {strides = array<i32>} : memref<40x1024xi32, #tpu.memory_space<vmem>>, vector<16xi32>,
      tpu.vector_store %arg6[%swap3A_240, %swap3A_241], %broadcast_in_dim3A_3 {strides = array<i32>} : memref<40x1024xi32, #tpu.memory_space<vmem>>, vector<16xi32>,
      %swap3A_243 = arith.index_cast %scan3A_117 : i32 to index
      %swap3A_244 = arith.constant 672 : index
      %swap3A_245 = tpu.vector_load %arg6[%swap3A_243, %swap3A_244] {strides = array<i32>} : memref<40x1024xi32, #tpu.memory_space<vmem>>, vector<16xi32>,
      tpu.vector_store %arg6[%swap3A_243, %swap3A_244], %broadcast_in_dim3A_3 {strides = array<i32>} : memref<40x1024xi32, #tpu.memory_space<vmem>>, vector<16xi32>,
      %swap3A_246 = arith.index_cast %scan3A_117 : i32 to index
      %swap3A_247 = arith.constant 688 : index
      %swap3A_248 = tpu.vector_load %arg6[%swap3A_246, %swap3A_247] {strides = array<i32>} : memref<40x1024xi32, #tpu.memory_space<vmem>>, vector<16xi32>,
      tpu.vector_store %arg6[%swap3A_246, %swap3A_247], %broadcast_in_dim3A_3 {strides = array<i32>} : memref<40x1024xi32, #tpu.memory_space<vmem>>, vector<16xi32>,
      %swap3A_249 = arith.index_cast %scan3A_117 : i32 to index
      %swap3A_250 = arith.constant 704 : index
      %swap3A_251 = tpu.vector_load %arg6[%swap3A_249, %swap3A_250] {strides = array<i32>} : memref<40x1024xi32, #tpu.memory_space<vmem>>, vector<16xi32>,
      tpu.vector_store %arg6[%swap3A_249, %swap3A_250], %broadcast_in_dim3A_3 {strides = array<i32>} : memref<40x1024xi32, #tpu.memory_space<vmem>>, vector<16xi32>,
      %swap3A_252 = arith.index_cast %scan3A_117 : i32 to index
      %swap3A_253 = arith.constant 720 : index
      %swap3A_254 = tpu.vector_load %arg6[%swap3A_252, %swap3A_253] {strides = array<i32>} : memref<40x1024xi32, #tpu.memory_space<vmem>>, vector<16xi32>,
      tpu.vector_store %arg6[%swap3A_252, %swap3A_253], %broadcast_in_dim3A_3 {strides = array<i32>} : memref<40x1024xi32, #tpu.memory_space<vmem>>, vector<16xi32>,
      %swap3A_255 = arith.index_cast %scan3A_117 : i32 to index
      %swap3A_256 = arith.constant 736 : index
      %swap3A_257 = tpu.vector_load %arg6[%swap3A_255, %swap3A_256] {strides = array<i32>} : memref<40x1024xi32, #tpu.memory_space<vmem>>, vector<16xi32>,
      tpu.vector_store %arg6[%swap3A_255, %swap3A_256], %broadcast_in_dim3A_3 {strides = array<i32>} : memref<40x1024xi32, #tpu.memory_space<vmem>>, vector<16xi32>,
      %swap3A_258 = arith.index_cast %scan3A_117 : i32 to index
      %swap3A_259 = arith.constant 752 : index
      %swap3A_260 = tpu.vector_load %arg6[%swap3A_258, %swap3A_259] {strides = array<i32>} : memref<40x1024xi32, #tpu.memory_space<vmem>>, vector<16xi32>,
      tpu.vector_store %arg6[%swap3A_258, %swap3A_259], %broadcast_in_dim3A_3 {strides = array<i32>} : memref<40x1024xi32, #tpu.memory_space<vmem>>, vector<16xi32>,
      %swap3A_261 = arith.index_cast %scan3A_117 : i32 to index
      %swap3A_262 = arith.constant 768 : index
      %swap3A_263 = tpu.vector_load %arg6[%swap3A_261, %swap3A_262] {strides = array<i32>} : memref<40x1024xi32, #tpu.memory_space<vmem>>, vector<16xi32>,
      tpu.vector_store %arg6[%swap3A_261, %swap3A_262], %broadcast_in_dim3A_3 {strides = array<i32>} : memref<40x1024xi32, #tpu.memory_space<vmem>>, vector<16xi32>,
      %swap3A_264 = arith.index_cast %scan3A_117 : i32 to index
      %swap3A_265 = arith.constant 784 : index
      %swap3A_266 = tpu.vector_load %arg6[%swap3A_264, %swap3A_265] {strides = array<i32>} : memref<40x1024xi32, #tpu.memory_space<vmem>>, vector<16xi32>,
      tpu.vector_store %arg6[%swap3A_264, %swap3A_265], %broadcast_in_dim3A_3 {strides = array<i32>} : memref<40x1024xi32, #tpu.memory_space<vmem>>, vector<16xi32>,
      %swap3A_267 = arith.index_cast %scan3A_117 : i32 to index
      %swap3A_268 = arith.constant 800 : index
      %swap3A_269 = tpu.vector_load %arg6[%swap3A_267, %swap3A_268] {strides = array<i32>} : memref<40x1024xi32, #tpu.memory_space<vmem>>, vector<16xi32>,
      tpu.vector_store %arg6[%swap3A_267, %swap3A_268], %broadcast_in_dim3A_3 {strides = array<i32>} : memref<40x1024xi32, #tpu.memory_space<vmem>>, vector<16xi32>,
      %swap3A_270 = arith.index_cast %scan3A_117 : i32 to index
      %swap3A_271 = arith.constant 816 : index
      %swap3A_272 = tpu.vector_load %arg6[%swap3A_270, %swap3A_271] {strides = array<i32>} : memref<40x1024xi32, #tpu.memory_space<vmem>>, vector<16xi32>,
      tpu.vector_store %arg6[%swap3A_270, %swap3A_271], %broadcast_in_dim3A_3 {strides = array<i32>} : memref<40x1024xi32, #tpu.memory_space<vmem>>, vector<16xi32>,
      %swap3A_273 = arith.index_cast %scan3A_117 : i32 to index
      %swap3A_274 = arith.constant 832 : index
      %swap3A_275 = tpu.vector_load %arg6[%swap3A_273, %swap3A_274] {strides = array<i32>} : memref<40x1024xi32, #tpu.memory_space<vmem>>, vector<16xi32>,
      tpu.vector_store %arg6[%swap3A_273, %swap3A_274], %broadcast_in_dim3A_3 {strides = array<i32>} : memref<40x1024xi32, #tpu.memory_space<vmem>>, vector<16xi32>,
      %swap3A_276 = arith.index_cast %scan3A_117 : i32 to index
      %swap3A_277 = arith.constant 848 : index
      %swap3A_278 = tpu.vector_load %arg6[%swap3A_276, %swap3A_277] {strides = array<i32>} : memref<40x1024xi32, #tpu.memory_space<vmem>>, vector<16xi32>,
      tpu.vector_store %arg6[%swap3A_276, %swap3A_277], %broadcast_in_dim3A_3 {strides = array<i32>} : memref<40x1024xi32, #tpu.memory_space<vmem>>, vector<16xi32>,
      %swap3A_279 = arith.index_cast %scan3A_117 : i32 to index
      %swap3A_280 = arith.constant 864 : index
      %swap3A_281 = tpu.vector_load %arg6[%swap3A_279, %swap3A_280] {strides = array<i32>} : memref<40x1024xi32, #tpu.memory_space<vmem>>, vector<16xi32>,
      tpu.vector_store %arg6[%swap3A_279, %swap3A_280], %broadcast_in_dim3A_3 {strides = array<i32>} : memref<40x1024xi32, #tpu.memory_space<vmem>>, vector<16xi32>,
      %swap3A_282 = arith.index_cast %scan3A_117 : i32 to index
      %swap3A_283 = arith.constant 880 : index
      %swap3A_284 = tpu.vector_load %arg6[%swap3A_282, %swap3A_283] {strides = array<i32>} : memref<40x1024xi32, #tpu.memory_space<vmem>>, vector<16xi32>,
      tpu.vector_store %arg6[%swap3A_282, %swap3A_283], %broadcast_in_dim3A_3 {strides = array<i32>} : memref<40x1024xi32, #tpu.memory_space<vmem>>, vector<16xi32>,
      %swap3A_285 = arith.index_cast %scan3A_117 : i32 to index
      %swap3A_286 = arith.constant 896 : index
      %swap3A_287 = tpu.vector_load %arg6[%swap3A_285, %swap3A_286] {strides = array<i32>} : memref<40x1024xi32, #tpu.memory_space<vmem>>, vector<16xi32>,
      tpu.vector_store %arg6[%swap3A_285, %swap3A_286], %broadcast_in_dim3A_3 {strides = array<i32>} : memref<40x1024xi32, #tpu.memory_space<vmem>>, vector<16xi32>,
      %swap3A_288 = arith.index_cast %scan3A_117 : i32 to index
      %swap3A_289 = arith.constant 912 : index
      %swap3A_290 = tpu.vector_load %arg6[%swap3A_288, %swap3A_289] {strides = array<i32>} : memref<40x1024xi32, #tpu.memory_space<vmem>>, vector<16xi32>,
      tpu.vector_store %arg6[%swap3A_288, %swap3A_289], %broadcast_in_dim3A_3 {strides = array<i32>} : memref<40x1024xi32, #tpu.memory_space<vmem>>, vector<16xi32>,
      %swap3A_291 = arith.index_cast %scan3A_117 : i32 to index
      %swap3A_292 = arith.constant 928 : index
      %swap3A_293 = tpu.vector_load %arg6[%swap3A_291, %swap3A_292] {strides = array<i32>} : memref<40x1024xi32, #tpu.memory_space<vmem>>, vector<16xi32>,
      tpu.vector_store %arg6[%swap3A_291, %swap3A_292], %broadcast_in_dim3A_3 {strides = array<i32>} : memref<40x1024xi32, #tpu.memory_space<vmem>>, vector<16xi32>,
      %swap3A_294 = arith.index_cast %scan3A_117 : i32 to index
      %swap3A_295 = arith.constant 944 : index
      %swap3A_296 = tpu.vector_load %arg6[%swap3A_294, %swap3A_295] {strides = array<i32>} : memref<40x1024xi32, #tpu.memory_space<vmem>>, vector<16xi32>,
      tpu.vector_store %arg6[%swap3A_294, %swap3A_295], %broadcast_in_dim3A_3 {strides = array<i32>} : memref<40x1024xi32, #tpu.memory_space<vmem>>, vector<16xi32>,
      %swap3A_297 = arith.index_cast %scan3A_117 : i32 to index
      %swap3A_298 = arith.constant 960 : index
      %swap3A_299 = tpu.vector_load %arg6[%swap3A_297, %swap3A_298] {strides = array<i32>} : memref<40x1024xi32, #tpu.memory_space<vmem>>, vector<16xi32>,
      tpu.vector_store %arg6[%swap3A_297, %swap3A_298], %broadcast_in_dim3A_3 {strides = array<i32>} : memref<40x1024xi32, #tpu.memory_space<vmem>>, vector<16xi32>,
      %swap3A_300 = arith.index_cast %scan3A_117 : i32 to index
      %swap3A_301 = arith.constant 976 : index
      %swap3A_302 = tpu.vector_load %arg6[%swap3A_300, %swap3A_301] {strides = array<i32>} : memref<40x1024xi32, #tpu.memory_space<vmem>>, vector<16xi32>,
      tpu.vector_store %arg6[%swap3A_300, %swap3A_301], %broadcast_in_dim3A_3 {strides = array<i32>} : memref<40x1024xi32, #tpu.memory_space<vmem>>, vector<16xi32>,
      %swap3A_303 = arith.index_cast %scan3A_117 : i32 to index
      %swap3A_304 = arith.constant 992 : index
      %swap3A_305 = tpu.vector_load %arg6[%swap3A_303, %swap3A_304] {strides = array<i32>} : memref<40x1024xi32, #tpu.memory_space<vmem>>, vector<16xi32>,
      tpu.vector_store %arg6[%swap3A_303, %swap3A_304], %broadcast_in_dim3A_3 {strides = array<i32>} : memref<40x1024xi32, #tpu.memory_space<vmem>>, vector<16xi32>,
      %swap3A_306 = arith.index_cast %scan3A_117 : i32 to index
      %swap3A_307 = arith.constant 1008 : index
      %swap3A_308 = tpu.vector_load %arg6[%swap3A_306, %swap3A_307] {strides = array<i32>} : memref<40x1024xi32, #tpu.memory_space<vmem>>, vector<16xi32>,
      tpu.vector_store %arg6[%swap3A_306, %swap3A_307], %broadcast_in_dim3A_3 {strides = array<i32>} : memref<40x1024xi32, #tpu.memory_space<vmem>>, vector<16xi32>,
    }
    %scan3A_7 = arith.constant 40 : i32
    %add3A_8 = arith.constant 0 : i32
    %add3A_9 = arith.addi %add3A, %add3A_8 : i32
    %mul3A_10 = arith.constant 40 : i32
    %mul3A_11 = arith.muli %add3A_9, %mul3A_10 : i32
    %jit3A = arith.constant 1000 : i32
    %div3A = arith.divsi %mul3A_11, %jit3A : i32
    %sign3A = arith.constant 0 : i32
    %sign3A_12 = arith.cmpi sgt, %mul3A_11, %sign3A : i32
    %sign3A_13 = arith.extui %sign3A_12 : i1 to i32
    %sign3A_14 = arith.constant 0 : i32
    %sign3A_15 = arith.cmpi slt, %mul3A_11, %sign3A_14 : i32
    %sign3A_16 = arith.extui %sign3A_15 : i1 to i32
    %sign3A_17 = arith.subi %sign3A_13, %sign3A_16 : i32
    %sign3A_18 = arith.constant 0 : i32
    %sign3A_19 = arith.cmpi sgt, %jit3A, %sign3A_18 : i32
    %sign3A_20 = arith.extui %sign3A_19 : i1 to i32
    %sign3A_21 = arith.constant 0 : i32
    %sign3A_22 = arith.cmpi slt, %jit3A, %sign3A_21 : i32
    %sign3A_23 = arith.extui %sign3A_22 : i1 to i32
    %sign3A_24 = arith.subi %sign3A_20, %sign3A_23 : i32
    %ne3A = arith.cmpi ne, %sign3A_17, %sign3A_24 : i32
    %rem3A = arith.remsi %mul3A_11, %jit3A : i32
    %ne3A_25 = arith.constant 0 : i32
    %ne3A_26 = arith.cmpi ne, %rem3A, %ne3A_25 : i32
    %and3A = arith.andi %ne3A, %ne3A_26 : i1
    %sub3A = arith.constant 1 : i32
    %sub3A_27 = arith.subi %div3A, %sub3A : i32
    %select_n3A = arith.select %and3A, %sub3A_27, %div3A : i32
    "tpu.region"() ({
      %run_scoped3A = tpu.sem_alloc : memref<!tpu.dma_semaphore, #tpu.memory_space<semaphore_mem>>
      %dma_start3A_117 = arith.constant 0 : i32
      %dma_start3A_118 = tpu.memref_slice %arg2[%select_n3A, %dma_start3A_117] : memref<26x1024xi32, #tpu.memory_space<hbm>> -> memref<1x1024xi32, #tpu.memory_space<hbm>>
      %dma_start3A_119 = tpu.memref_squeeze %dma_start3A_118 : memref<1x1024xi32, #tpu.memory_space<hbm>> -> memref<1024xi32, #tpu.memory_space<hbm>>
      %dma_start3A_120 = arith.constant 0 : i32
      %dma_start3A_121 = tpu.memref_slice %arg2[%select_n3A, %dma_start3A_120] : memref<26x1024xi32, #tpu.memory_space<hbm>> -> memref<1x1024xi32, #tpu.memory_space<hbm>>
      %dma_start3A_122 = tpu.memref_squeeze %dma_start3A_121 : memref<1x1024xi32, #tpu.memory_space<hbm>> -> memref<1024xi32, #tpu.memory_space<hbm>>
      tpu.enqueue_dma source(%dma_start3A_122 : memref<1024xi32, #tpu.memory_space<hbm>>) target(%arg4 : memref<1024xi32, #tpu.memory_space<vmem>>) target_semaphore(%run_scoped3A : memref<!tpu.dma_semaphore, #tpu.memory_space<semaphore_mem>>)
      %dma_wait3A_123 = arith.constant 0 : i32
      %dma_wait3A_124 = tpu.memref_slice %arg2[%select_n3A, %dma_wait3A_123] : memref<26x1024xi32, #tpu.memory_space<hbm>> -> memref<1x1024xi32, #tpu.memory_space<hbm>>
      %dma_wait3A_125 = tpu.memref_squeeze %dma_wait3A_124 : memref<1x1024xi32, #tpu.memory_space<hbm>> -> memref<1024xi32, #tpu.memory_space<hbm>>
      %dma_wait3A_126 = arith.constant 0 : i32
      %dma_wait3A_127 = tpu.memref_slice %arg2[%select_n3A, %dma_wait3A_126] : memref<26x1024xi32, #tpu.memory_space<hbm>> -> memref<1x1024xi32, #tpu.memory_space<hbm>>
      %dma_wait3A_128 = tpu.memref_squeeze %dma_wait3A_127 : memref<1x1024xi32, #tpu.memory_space<hbm>> -> memref<1024xi32, #tpu.memory_space<hbm>>
      tpu.wait_dma2 semaphore(%run_scoped3A : memref<!tpu.dma_semaphore, #tpu.memory_space<semaphore_mem>>) src(%dma_wait3A_128 : memref<1024xi32, #tpu.memory_space<hbm>>) dst(%arg4 : memref<1024xi32, #tpu.memory_space<vmem>>)
      tpu.yield
    }) : () -> ()
    %scan3A_28 = arith.constant 0 : i32
    %scan3A_29 = arith.constant 16 : i32
    %scan3A_30 = arith.addi %scan3A_28, %scan3A_29 : i32
    %scan3A_31 = arith.constant 1 : i32
    scf.for %scan3A_117 = %scan3A_28 to %scan3A_30 step %scan3A_31  : i32 {
      %mul3A_118 = arith.constant 4 : i32
      %mul3A_119 = arith.muli %scan3A_117, %mul3A_118 : i32
      %add3A_120 = arith.constant 0 : i32
      %add3A_121 = arith.addi %mul3A_119, %add3A_120 : i32
      %mul3A_122 = arith.constant 16 : i32
      %mul3A_123 = arith.muli %add3A_121, %mul3A_122 : i32
      %add3A_124 = vector.broadcast %mul3A_123 : i32 to vector<16xi32>
      %add3A_125 = arith.addi %add3A_124, %iota3A : vector<16xi32>
      %mul3A_126 = arith.constant 16 : i32
      %mul3A_127 = arith.muli %add3A_121, %mul3A_126 : i32
      %multiple_of3A = tpu.assume_multiple %mul3A_127, 16 : i32
      %get3A = arith.index_cast %multiple_of3A : i32 to index
      %get3A_128 = tpu.vector_load %arg4[%get3A] {strides = array<i32>} : memref<1024xi32, #tpu.memory_space<vmem>>, vector<16xi32>,
      %ge3A = vector.broadcast %mul3A_11 : i32 to vector<16xi32>
      %ge3A_129 = arith.cmpi sge, %get3A_128, %ge3A : vector<16xi32>
      %add3A_130 = arith.constant 40 : i32
      %add3A_131 = arith.addi %mul3A_11, %add3A_130 : i32
      %lt3A_132 = vector.broadcast %add3A_131 : i32 to vector<16xi32>
      %lt3A_133 = arith.cmpi slt, %get3A_128, %lt3A_132 : vector<16xi32>
      %and3A_134 = arith.andi %ge3A_129, %lt3A_133 : vector<16xi1>
      %sub3A_135 = vector.broadcast %mul3A_11 : i32 to vector<16xi32>
      %sub3A_136 = arith.subi %get3A_128, %sub3A_135 : vector<16xi32>
      tpu.vector_store_idx %arg6[%sub3A_136, %add3A_125], %broadcast_in_dim3A_1 masked %and3A_134 : memref<40x1024xi32, #tpu.memory_space<vmem>>[vector<16xi32>, vector<16xi32>], vector<16xi32>, vector<16xi1>
      %mul3A_137 = arith.constant 4 : i32
      %mul3A_138 = arith.muli %scan3A_117, %mul3A_137 : i32
      %add3A_139 = arith.constant 1 : i32
      %add3A_140 = arith.addi %mul3A_138, %add3A_139 : i32
      %mul3A_141 = arith.constant 16 : i32
      %mul3A_142 = arith.muli %add3A_140, %mul3A_141 : i32
      %add3A_143 = vector.broadcast %mul3A_142 : i32 to vector<16xi32>
      %add3A_144 = arith.addi %add3A_143, %iota3A : vector<16xi32>
      %mul3A_145 = arith.constant 16 : i32
      %mul3A_146 = arith.muli %add3A_140, %mul3A_145 : i32
      %multiple_of3A_147 = tpu.assume_multiple %mul3A_146, 16 : i32
      %get3A_148 = arith.index_cast %multiple_of3A_147 : i32 to index
      %get3A_149 = tpu.vector_load %arg4[%get3A_148] {strides = array<i32>} : memref<1024xi32, #tpu.memory_space<vmem>>, vector<16xi32>,
      %ge3A_150 = vector.broadcast %mul3A_11 : i32 to vector<16xi32>
      %ge3A_151 = arith.cmpi sge, %get3A_149, %ge3A_150 : vector<16xi32>
      %add3A_152 = arith.constant 40 : i32
      %add3A_153 = arith.addi %mul3A_11, %add3A_152 : i32
      %lt3A_154 = vector.broadcast %add3A_153 : i32 to vector<16xi32>
      %lt3A_155 = arith.cmpi slt, %get3A_149, %lt3A_154 : vector<16xi32>
      %and3A_156 = arith.andi %ge3A_151, %lt3A_155 : vector<16xi1>
      %sub3A_157 = vector.broadcast %mul3A_11 : i32 to vector<16xi32>
      %sub3A_158 = arith.subi %get3A_149, %sub3A_157 : vector<16xi32>
      tpu.vector_store_idx %arg6[%sub3A_158, %add3A_144], %broadcast_in_dim3A_1 masked %and3A_156 : memref<40x1024xi32, #tpu.memory_space<vmem>>[vector<16xi32>, vector<16xi32>], vector<16xi32>, vector<16xi1>
      %mul3A_159 = arith.constant 4 : i32
      %mul3A_160 = arith.muli %scan3A_117, %mul3A_159 : i32
      %add3A_161 = arith.constant 2 : i32
      %add3A_162 = arith.addi %mul3A_160, %add3A_161 : i32
      %mul3A_163 = arith.constant 16 : i32
      %mul3A_164 = arith.muli %add3A_162, %mul3A_163 : i32
      %add3A_165 = vector.broadcast %mul3A_164 : i32 to vector<16xi32>
      %add3A_166 = arith.addi %add3A_165, %iota3A : vector<16xi32>
      %mul3A_167 = arith.constant 16 : i32
      %mul3A_168 = arith.muli %add3A_162, %mul3A_167 : i32
      %multiple_of3A_169 = tpu.assume_multiple %mul3A_168, 16 : i32
      %get3A_170 = arith.index_cast %multiple_of3A_169 : i32 to index
      %get3A_171 = tpu.vector_load %arg4[%get3A_170] {strides = array<i32>} : memref<1024xi32, #tpu.memory_space<vmem>>, vector<16xi32>,
      %ge3A_172 = vector.broadcast %mul3A_11 : i32 to vector<16xi32>
      %ge3A_173 = arith.cmpi sge, %get3A_171, %ge3A_172 : vector<16xi32>
      %add3A_174 = arith.constant 40 : i32
      %add3A_175 = arith.addi %mul3A_11, %add3A_174 : i32
      %lt3A_176 = vector.broadcast %add3A_175 : i32 to vector<16xi32>
      %lt3A_177 = arith.cmpi slt, %get3A_171, %lt3A_176 : vector<16xi32>
      %and3A_178 = arith.andi %ge3A_173, %lt3A_177 : vector<16xi1>
      %sub3A_179 = vector.broadcast %mul3A_11 : i32 to vector<16xi32>
      %sub3A_180 = arith.subi %get3A_171, %sub3A_179 : vector<16xi32>
      tpu.vector_store_idx %arg6[%sub3A_180, %add3A_166], %broadcast_in_dim3A_1 masked %and3A_178 : memref<40x1024xi32, #tpu.memory_space<vmem>>[vector<16xi32>, vector<16xi32>], vector<16xi32>, vector<16xi1>
      %mul3A_181 = arith.constant 4 : i32
      %mul3A_182 = arith.muli %scan3A_117, %mul3A_181 : i32
      %add3A_183 = arith.constant 3 : i32
      %add3A_184 = arith.addi %mul3A_182, %add3A_183 : i32
      %mul3A_185 = arith.constant 16 : i32
      %mul3A_186 = arith.muli %add3A_184, %mul3A_185 : i32
      %add3A_187 = vector.broadcast %mul3A_186 : i32 to vector<16xi32>
      %add3A_188 = arith.addi %add3A_187, %iota3A : vector<16xi32>
      %mul3A_189 = arith.constant 16 : i32
      %mul3A_190 = arith.muli %add3A_184, %mul3A_189 : i32
      %multiple_of3A_191 = tpu.assume_multiple %mul3A_190, 16 : i32
      %get3A_192 = arith.index_cast %multiple_of3A_191 : i32 to index
      %get3A_193 = tpu.vector_load %arg4[%get3A_192] {strides = array<i32>} : memref<1024xi32, #tpu.memory_space<vmem>>, vector<16xi32>,
      %ge3A_194 = vector.broadcast %mul3A_11 : i32 to vector<16xi32>
      %ge3A_195 = arith.cmpi sge, %get3A_193, %ge3A_194 : vector<16xi32>
      %add3A_196 = arith.constant 40 : i32
      %add3A_197 = arith.addi %mul3A_11, %add3A_196 : i32
      %lt3A_198 = vector.broadcast %add3A_197 : i32 to vector<16xi32>
      %lt3A_199 = arith.cmpi slt, %get3A_193, %lt3A_198 : vector<16xi32>
      %and3A_200 = arith.andi %ge3A_195, %lt3A_199 : vector<16xi1>
      %sub3A_201 = vector.broadcast %mul3A_11 : i32 to vector<16xi32>
      %sub3A_202 = arith.subi %get3A_193, %sub3A_201 : vector<16xi32>
      tpu.vector_store_idx %arg6[%sub3A_202, %add3A_188], %broadcast_in_dim3A_1 masked %and3A_200 : memref<40x1024xi32, #tpu.memory_space<vmem>>[vector<16xi32>, vector<16xi32>], vector<16xi32>, vector<16xi1>
    }
    %scan3A_32 = arith.constant 16 : i32
    %dma_start3A = arith.constant 0 : i32
    %dma_start3A_33 = tpu.memref_slice %arg3[%mul3A_11, %dma_start3A] : memref<26000x1024xi32, #tpu.memory_space<hbm>> -> memref<40x1024xi32, #tpu.memory_space<hbm>>
    %dma_start3A_34 = arith.constant 0 : i32
    %dma_start3A_35 = tpu.memref_slice %arg3[%mul3A_11, %dma_start3A_34] : memref<26000x1024xi32, #tpu.memory_space<hbm>> -> memref<40x1024xi32, #tpu.memory_space<hbm>>
    tpu.enqueue_dma source(%arg6 : memref<40x1024xi32, #tpu.memory_space<vmem>>) target(%dma_start3A_35 : memref<40x1024xi32, #tpu.memory_space<hbm>>) target_semaphore(%arg8 : memref<!tpu.dma_semaphore, #tpu.memory_space<semaphore_mem>>)
    %scan3A_36 = arith.constant 0 : i32
    %scan3A_37 = arith.constant 40 : i32
    %scan3A_38 = arith.addi %scan3A_36, %scan3A_37 : i32
    %scan3A_39 = arith.constant 1 : i32
    scf.for %scan3A_117 = %scan3A_36 to %scan3A_38 step %scan3A_39  : i32 {
      %swap3A = arith.index_cast %scan3A_117 : i32 to index
      %swap3A_118 = arith.constant 0 : index
      %swap3A_119 = tpu.vector_load %arg7[%swap3A, %swap3A_118] {strides = array<i32>} : memref<40x1024xi32, #tpu.memory_space<vmem>>, vector<16xi32>,
      tpu.vector_store %arg7[%swap3A, %swap3A_118], %broadcast_in_dim3A_3 {strides = array<i32>} : memref<40x1024xi32, #tpu.memory_space<vmem>>, vector<16xi32>,
      %swap3A_120 = arith.index_cast %scan3A_117 : i32 to index
      %swap3A_121 = arith.constant 16 : index
      %swap3A_122 = tpu.vector_load %arg7[%swap3A_120, %swap3A_121] {strides = array<i32>} : memref<40x1024xi32, #tpu.memory_space<vmem>>, vector<16xi32>,
      tpu.vector_store %arg7[%swap3A_120, %swap3A_121], %broadcast_in_dim3A_3 {strides = array<i32>} : memref<40x1024xi32, #tpu.memory_space<vmem>>, vector<16xi32>,
      %swap3A_123 = arith.index_cast %scan3A_117 : i32 to index
      %swap3A_124 = arith.constant 32 : index
      %swap3A_125 = tpu.vector_load %arg7[%swap3A_123, %swap3A_124] {strides = array<i32>} : memref<40x1024xi32, #tpu.memory_space<vmem>>, vector<16xi32>,
      tpu.vector_store %arg7[%swap3A_123, %swap3A_124], %broadcast_in_dim3A_3 {strides = array<i32>} : memref<40x1024xi32, #tpu.memory_space<vmem>>, vector<16xi32>,
      %swap3A_126 = arith.index_cast %scan3A_117 : i32 to index
      %swap3A_127 = arith.constant 48 : index
      %swap3A_128 = tpu.vector_load %arg7[%swap3A_126, %swap3A_127] {strides = array<i32>} : memref<40x1024xi32, #tpu.memory_space<vmem>>, vector<16xi32>,
      tpu.vector_store %arg7[%swap3A_126, %swap3A_127], %broadcast_in_dim3A_3 {strides = array<i32>} : memref<40x1024xi32, #tpu.memory_space<vmem>>, vector<16xi32>,
      %swap3A_129 = arith.index_cast %scan3A_117 : i32 to index
      %swap3A_130 = arith.constant 64 : index
      %swap3A_131 = tpu.vector_load %arg7[%swap3A_129, %swap3A_130] {strides = array<i32>} : memref<40x1024xi32, #tpu.memory_space<vmem>>, vector<16xi32>,
      tpu.vector_store %arg7[%swap3A_129, %swap3A_130], %broadcast_in_dim3A_3 {strides = array<i32>} : memref<40x1024xi32, #tpu.memory_space<vmem>>, vector<16xi32>,
      %swap3A_132 = arith.index_cast %scan3A_117 : i32 to index
      %swap3A_133 = arith.constant 80 : index
      %swap3A_134 = tpu.vector_load %arg7[%swap3A_132, %swap3A_133] {strides = array<i32>} : memref<40x1024xi32, #tpu.memory_space<vmem>>, vector<16xi32>,
      tpu.vector_store %arg7[%swap3A_132, %swap3A_133], %broadcast_in_dim3A_3 {strides = array<i32>} : memref<40x1024xi32, #tpu.memory_space<vmem>>, vector<16xi32>,
      %swap3A_135 = arith.index_cast %scan3A_117 : i32 to index
      %swap3A_136 = arith.constant 96 : index
      %swap3A_137 = tpu.vector_load %arg7[%swap3A_135, %swap3A_136] {strides = array<i32>} : memref<40x1024xi32, #tpu.memory_space<vmem>>, vector<16xi32>,
      tpu.vector_store %arg7[%swap3A_135, %swap3A_136], %broadcast_in_dim3A_3 {strides = array<i32>} : memref<40x1024xi32, #tpu.memory_space<vmem>>, vector<16xi32>,
      %swap3A_138 = arith.index_cast %scan3A_117 : i32 to index
      %swap3A_139 = arith.constant 112 : index
      %swap3A_140 = tpu.vector_load %arg7[%swap3A_138, %swap3A_139] {strides = array<i32>} : memref<40x1024xi32, #tpu.memory_space<vmem>>, vector<16xi32>,
      tpu.vector_store %arg7[%swap3A_138, %swap3A_139], %broadcast_in_dim3A_3 {strides = array<i32>} : memref<40x1024xi32, #tpu.memory_space<vmem>>, vector<16xi32>,
      %swap3A_141 = arith.index_cast %scan3A_117 : i32 to index
      %swap3A_142 = arith.constant 128 : index
      %swap3A_143 = tpu.vector_load %arg7[%swap3A_141, %swap3A_142] {strides = array<i32>} : memref<40x1024xi32, #tpu.memory_space<vmem>>, vector<16xi32>,
      tpu.vector_store %arg7[%swap3A_141, %swap3A_142], %broadcast_in_dim3A_3 {strides = array<i32>} : memref<40x1024xi32, #tpu.memory_space<vmem>>, vector<16xi32>,
      %swap3A_144 = arith.index_cast %scan3A_117 : i32 to index
      %swap3A_145 = arith.constant 144 : index
      %swap3A_146 = tpu.vector_load %arg7[%swap3A_144, %swap3A_145] {strides = array<i32>} : memref<40x1024xi32, #tpu.memory_space<vmem>>, vector<16xi32>,
      tpu.vector_store %arg7[%swap3A_144, %swap3A_145], %broadcast_in_dim3A_3 {strides = array<i32>} : memref<40x1024xi32, #tpu.memory_space<vmem>>, vector<16xi32>,
      %swap3A_147 = arith.index_cast %scan3A_117 : i32 to index
      %swap3A_148 = arith.constant 160 : index
      %swap3A_149 = tpu.vector_load %arg7[%swap3A_147, %swap3A_148] {strides = array<i32>} : memref<40x1024xi32, #tpu.memory_space<vmem>>, vector<16xi32>,
      tpu.vector_store %arg7[%swap3A_147, %swap3A_148], %broadcast_in_dim3A_3 {strides = array<i32>} : memref<40x1024xi32, #tpu.memory_space<vmem>>, vector<16xi32>,
      %swap3A_150 = arith.index_cast %scan3A_117 : i32 to index
      %swap3A_151 = arith.constant 176 : index
      %swap3A_152 = tpu.vector_load %arg7[%swap3A_150, %swap3A_151] {strides = array<i32>} : memref<40x1024xi32, #tpu.memory_space<vmem>>, vector<16xi32>,
      tpu.vector_store %arg7[%swap3A_150, %swap3A_151], %broadcast_in_dim3A_3 {strides = array<i32>} : memref<40x1024xi32, #tpu.memory_space<vmem>>, vector<16xi32>,
      %swap3A_153 = arith.index_cast %scan3A_117 : i32 to index
      %swap3A_154 = arith.constant 192 : index
      %swap3A_155 = tpu.vector_load %arg7[%swap3A_153, %swap3A_154] {strides = array<i32>} : memref<40x1024xi32, #tpu.memory_space<vmem>>, vector<16xi32>,
      tpu.vector_store %arg7[%swap3A_153, %swap3A_154], %broadcast_in_dim3A_3 {strides = array<i32>} : memref<40x1024xi32, #tpu.memory_space<vmem>>, vector<16xi32>,
      %swap3A_156 = arith.index_cast %scan3A_117 : i32 to index
      %swap3A_157 = arith.constant 208 : index
      %swap3A_158 = tpu.vector_load %arg7[%swap3A_156, %swap3A_157] {strides = array<i32>} : memref<40x1024xi32, #tpu.memory_space<vmem>>, vector<16xi32>,
      tpu.vector_store %arg7[%swap3A_156, %swap3A_157], %broadcast_in_dim3A_3 {strides = array<i32>} : memref<40x1024xi32, #tpu.memory_space<vmem>>, vector<16xi32>,
      %swap3A_159 = arith.index_cast %scan3A_117 : i32 to index
      %swap3A_160 = arith.constant 224 : index
      %swap3A_161 = tpu.vector_load %arg7[%swap3A_159, %swap3A_160] {strides = array<i32>} : memref<40x1024xi32, #tpu.memory_space<vmem>>, vector<16xi32>,
      tpu.vector_store %arg7[%swap3A_159, %swap3A_160], %broadcast_in_dim3A_3 {strides = array<i32>} : memref<40x1024xi32, #tpu.memory_space<vmem>>, vector<16xi32>,
      %swap3A_162 = arith.index_cast %scan3A_117 : i32 to index
      %swap3A_163 = arith.constant 240 : index
      %swap3A_164 = tpu.vector_load %arg7[%swap3A_162, %swap3A_163] {strides = array<i32>} : memref<40x1024xi32, #tpu.memory_space<vmem>>, vector<16xi32>,
      tpu.vector_store %arg7[%swap3A_162, %swap3A_163], %broadcast_in_dim3A_3 {strides = array<i32>} : memref<40x1024xi32, #tpu.memory_space<vmem>>, vector<16xi32>,
      %swap3A_165 = arith.index_cast %scan3A_117 : i32 to index
      %swap3A_166 = arith.constant 256 : index
      %swap3A_167 = tpu.vector_load %arg7[%swap3A_165, %swap3A_166] {strides = array<i32>} : memref<40x1024xi32, #tpu.memory_space<vmem>>, vector<16xi32>,
      tpu.vector_store %arg7[%swap3A_165, %swap3A_166], %broadcast_in_dim3A_3 {strides = array<i32>} : memref<40x1024xi32, #tpu.memory_space<vmem>>, vector<16xi32>,
      %swap3A_168 = arith.index_cast %scan3A_117 : i32 to index
      %swap3A_169 = arith.constant 272 : index
      %swap3A_170 = tpu.vector_load %arg7[%swap3A_168, %swap3A_169] {strides = array<i32>} : memref<40x1024xi32, #tpu.memory_space<vmem>>, vector<16xi32>,
      tpu.vector_store %arg7[%swap3A_168, %swap3A_169], %broadcast_in_dim3A_3 {strides = array<i32>} : memref<40x1024xi32, #tpu.memory_space<vmem>>, vector<16xi32>,
      %swap3A_171 = arith.index_cast %scan3A_117 : i32 to index
      %swap3A_172 = arith.constant 288 : index
      %swap3A_173 = tpu.vector_load %arg7[%swap3A_171, %swap3A_172] {strides = array<i32>} : memref<40x1024xi32, #tpu.memory_space<vmem>>, vector<16xi32>,
      tpu.vector_store %arg7[%swap3A_171, %swap3A_172], %broadcast_in_dim3A_3 {strides = array<i32>} : memref<40x1024xi32, #tpu.memory_space<vmem>>, vector<16xi32>,
      %swap3A_174 = arith.index_cast %scan3A_117 : i32 to index
      %swap3A_175 = arith.constant 304 : index
      %swap3A_176 = tpu.vector_load %arg7[%swap3A_174, %swap3A_175] {strides = array<i32>} : memref<40x1024xi32, #tpu.memory_space<vmem>>, vector<16xi32>,
      tpu.vector_store %arg7[%swap3A_174, %swap3A_175], %broadcast_in_dim3A_3 {strides = array<i32>} : memref<40x1024xi32, #tpu.memory_space<vmem>>, vector<16xi32>,
      %swap3A_177 = arith.index_cast %scan3A_117 : i32 to index
      %swap3A_178 = arith.constant 320 : index
      %swap3A_179 = tpu.vector_load %arg7[%swap3A_177, %swap3A_178] {strides = array<i32>} : memref<40x1024xi32, #tpu.memory_space<vmem>>, vector<16xi32>,
      tpu.vector_store %arg7[%swap3A_177, %swap3A_178], %broadcast_in_dim3A_3 {strides = array<i32>} : memref<40x1024xi32, #tpu.memory_space<vmem>>, vector<16xi32>,
      %swap3A_180 = arith.index_cast %scan3A_117 : i32 to index
      %swap3A_181 = arith.constant 336 : index
      %swap3A_182 = tpu.vector_load %arg7[%swap3A_180, %swap3A_181] {strides = array<i32>} : memref<40x1024xi32, #tpu.memory_space<vmem>>, vector<16xi32>,
      tpu.vector_store %arg7[%swap3A_180, %swap3A_181], %broadcast_in_dim3A_3 {strides = array<i32>} : memref<40x1024xi32, #tpu.memory_space<vmem>>, vector<16xi32>,
      %swap3A_183 = arith.index_cast %scan3A_117 : i32 to index
      %swap3A_184 = arith.constant 352 : index
      %swap3A_185 = tpu.vector_load %arg7[%swap3A_183, %swap3A_184] {strides = array<i32>} : memref<40x1024xi32, #tpu.memory_space<vmem>>, vector<16xi32>,
      tpu.vector_store %arg7[%swap3A_183, %swap3A_184], %broadcast_in_dim3A_3 {strides = array<i32>} : memref<40x1024xi32, #tpu.memory_space<vmem>>, vector<16xi32>,
      %swap3A_186 = arith.index_cast %scan3A_117 : i32 to index
      %swap3A_187 = arith.constant 368 : index
      %swap3A_188 = tpu.vector_load %arg7[%swap3A_186, %swap3A_187] {strides = array<i32>} : memref<40x1024xi32, #tpu.memory_space<vmem>>, vector<16xi32>,
      tpu.vector_store %arg7[%swap3A_186, %swap3A_187], %broadcast_in_dim3A_3 {strides = array<i32>} : memref<40x1024xi32, #tpu.memory_space<vmem>>, vector<16xi32>,
      %swap3A_189 = arith.index_cast %scan3A_117 : i32 to index
      %swap3A_190 = arith.constant 384 : index
      %swap3A_191 = tpu.vector_load %arg7[%swap3A_189, %swap3A_190] {strides = array<i32>} : memref<40x1024xi32, #tpu.memory_space<vmem>>, vector<16xi32>,
      tpu.vector_store %arg7[%swap3A_189, %swap3A_190], %broadcast_in_dim3A_3 {strides = array<i32>} : memref<40x1024xi32, #tpu.memory_space<vmem>>, vector<16xi32>,
      %swap3A_192 = arith.index_cast %scan3A_117 : i32 to index
      %swap3A_193 = arith.constant 400 : index
      %swap3A_194 = tpu.vector_load %arg7[%swap3A_192, %swap3A_193] {strides = array<i32>} : memref<40x1024xi32, #tpu.memory_space<vmem>>, vector<16xi32>,
      tpu.vector_store %arg7[%swap3A_192, %swap3A_193], %broadcast_in_dim3A_3 {strides = array<i32>} : memref<40x1024xi32, #tpu.memory_space<vmem>>, vector<16xi32>,
      %swap3A_195 = arith.index_cast %scan3A_117 : i32 to index
      %swap3A_196 = arith.constant 416 : index
      %swap3A_197 = tpu.vector_load %arg7[%swap3A_195, %swap3A_196] {strides = array<i32>} : memref<40x1024xi32, #tpu.memory_space<vmem>>, vector<16xi32>,
      tpu.vector_store %arg7[%swap3A_195, %swap3A_196], %broadcast_in_dim3A_3 {strides = array<i32>} : memref<40x1024xi32, #tpu.memory_space<vmem>>, vector<16xi32>,
      %swap3A_198 = arith.index_cast %scan3A_117 : i32 to index
      %swap3A_199 = arith.constant 432 : index
      %swap3A_200 = tpu.vector_load %arg7[%swap3A_198, %swap3A_199] {strides = array<i32>} : memref<40x1024xi32, #tpu.memory_space<vmem>>, vector<16xi32>,
      tpu.vector_store %arg7[%swap3A_198, %swap3A_199], %broadcast_in_dim3A_3 {strides = array<i32>} : memref<40x1024xi32, #tpu.memory_space<vmem>>, vector<16xi32>,
      %swap3A_201 = arith.index_cast %scan3A_117 : i32 to index
      %swap3A_202 = arith.constant 448 : index
      %swap3A_203 = tpu.vector_load %arg7[%swap3A_201, %swap3A_202] {strides = array<i32>} : memref<40x1024xi32, #tpu.memory_space<vmem>>, vector<16xi32>,
      tpu.vector_store %arg7[%swap3A_201, %swap3A_202], %broadcast_in_dim3A_3 {strides = array<i32>} : memref<40x1024xi32, #tpu.memory_space<vmem>>, vector<16xi32>,
      %swap3A_204 = arith.index_cast %scan3A_117 : i32 to index
      %swap3A_205 = arith.constant 464 : index
      %swap3A_206 = tpu.vector_load %arg7[%swap3A_204, %swap3A_205] {strides = array<i32>} : memref<40x1024xi32, #tpu.memory_space<vmem>>, vector<16xi32>,
      tpu.vector_store %arg7[%swap3A_204, %swap3A_205], %broadcast_in_dim3A_3 {strides = array<i32>} : memref<40x1024xi32, #tpu.memory_space<vmem>>, vector<16xi32>,
      %swap3A_207 = arith.index_cast %scan3A_117 : i32 to index
      %swap3A_208 = arith.constant 480 : index
      %swap3A_209 = tpu.vector_load %arg7[%swap3A_207, %swap3A_208] {strides = array<i32>} : memref<40x1024xi32, #tpu.memory_space<vmem>>, vector<16xi32>,
      tpu.vector_store %arg7[%swap3A_207, %swap3A_208], %broadcast_in_dim3A_3 {strides = array<i32>} : memref<40x1024xi32, #tpu.memory_space<vmem>>, vector<16xi32>,
      %swap3A_210 = arith.index_cast %scan3A_117 : i32 to index
      %swap3A_211 = arith.constant 496 : index
      %swap3A_212 = tpu.vector_load %arg7[%swap3A_210, %swap3A_211] {strides = array<i32>} : memref<40x1024xi32, #tpu.memory_space<vmem>>, vector<16xi32>,
      tpu.vector_store %arg7[%swap3A_210, %swap3A_211], %broadcast_in_dim3A_3 {strides = array<i32>} : memref<40x1024xi32, #tpu.memory_space<vmem>>, vector<16xi32>,
      %swap3A_213 = arith.index_cast %scan3A_117 : i32 to index
      %swap3A_214 = arith.constant 512 : index
      %swap3A_215 = tpu.vector_load %arg7[%swap3A_213, %swap3A_214] {strides = array<i32>} : memref<40x1024xi32, #tpu.memory_space<vmem>>, vector<16xi32>,
      tpu.vector_store %arg7[%swap3A_213, %swap3A_214], %broadcast_in_dim3A_3 {strides = array<i32>} : memref<40x1024xi32, #tpu.memory_space<vmem>>, vector<16xi32>,
      %swap3A_216 = arith.index_cast %scan3A_117 : i32 to index
      %swap3A_217 = arith.constant 528 : index
      %swap3A_218 = tpu.vector_load %arg7[%swap3A_216, %swap3A_217] {strides = array<i32>} : memref<40x1024xi32, #tpu.memory_space<vmem>>, vector<16xi32>,
      tpu.vector_store %arg7[%swap3A_216, %swap3A_217], %broadcast_in_dim3A_3 {strides = array<i32>} : memref<40x1024xi32, #tpu.memory_space<vmem>>, vector<16xi32>,
      %swap3A_219 = arith.index_cast %scan3A_117 : i32 to index
      %swap3A_220 = arith.constant 544 : index
      %swap3A_221 = tpu.vector_load %arg7[%swap3A_219, %swap3A_220] {strides = array<i32>} : memref<40x1024xi32, #tpu.memory_space<vmem>>, vector<16xi32>,
      tpu.vector_store %arg7[%swap3A_219, %swap3A_220], %broadcast_in_dim3A_3 {strides = array<i32>} : memref<40x1024xi32, #tpu.memory_space<vmem>>, vector<16xi32>,
      %swap3A_222 = arith.index_cast %scan3A_117 : i32 to index
      %swap3A_223 = arith.constant 560 : index
      %swap3A_224 = tpu.vector_load %arg7[%swap3A_222, %swap3A_223] {strides = array<i32>} : memref<40x1024xi32, #tpu.memory_space<vmem>>, vector<16xi32>,
      tpu.vector_store %arg7[%swap3A_222, %swap3A_223], %broadcast_in_dim3A_3 {strides = array<i32>} : memref<40x1024xi32, #tpu.memory_space<vmem>>, vector<16xi32>,
      %swap3A_225 = arith.index_cast %scan3A_117 : i32 to index
      %swap3A_226 = arith.constant 576 : index
      %swap3A_227 = tpu.vector_load %arg7[%swap3A_225, %swap3A_226] {strides = array<i32>} : memref<40x1024xi32, #tpu.memory_space<vmem>>, vector<16xi32>,
      tpu.vector_store %arg7[%swap3A_225, %swap3A_226], %broadcast_in_dim3A_3 {strides = array<i32>} : memref<40x1024xi32, #tpu.memory_space<vmem>>, vector<16xi32>,
      %swap3A_228 = arith.index_cast %scan3A_117 : i32 to index
      %swap3A_229 = arith.constant 592 : index
      %swap3A_230 = tpu.vector_load %arg7[%swap3A_228, %swap3A_229] {strides = array<i32>} : memref<40x1024xi32, #tpu.memory_space<vmem>>, vector<16xi32>,
      tpu.vector_store %arg7[%swap3A_228, %swap3A_229], %broadcast_in_dim3A_3 {strides = array<i32>} : memref<40x1024xi32, #tpu.memory_space<vmem>>, vector<16xi32>,
      %swap3A_231 = arith.index_cast %scan3A_117 : i32 to index
      %swap3A_232 = arith.constant 608 : index
      %swap3A_233 = tpu.vector_load %arg7[%swap3A_231, %swap3A_232] {strides = array<i32>} : memref<40x1024xi32, #tpu.memory_space<vmem>>, vector<16xi32>,
      tpu.vector_store %arg7[%swap3A_231, %swap3A_232], %broadcast_in_dim3A_3 {strides = array<i32>} : memref<40x1024xi32, #tpu.memory_space<vmem>>, vector<16xi32>,
      %swap3A_234 = arith.index_cast %scan3A_117 : i32 to index
      %swap3A_235 = arith.constant 624 : index
      %swap3A_236 = tpu.vector_load %arg7[%swap3A_234, %swap3A_235] {strides = array<i32>} : memref<40x1024xi32, #tpu.memory_space<vmem>>, vector<16xi32>,
      tpu.vector_store %arg7[%swap3A_234, %swap3A_235], %broadcast_in_dim3A_3 {strides = array<i32>} : memref<40x1024xi32, #tpu.memory_space<vmem>>, vector<16xi32>,
      %swap3A_237 = arith.index_cast %scan3A_117 : i32 to index
      %swap3A_238 = arith.constant 640 : index
      %swap3A_239 = tpu.vector_load %arg7[%swap3A_237, %swap3A_238] {strides = array<i32>} : memref<40x1024xi32, #tpu.memory_space<vmem>>, vector<16xi32>,
      tpu.vector_store %arg7[%swap3A_237, %swap3A_238], %broadcast_in_dim3A_3 {strides = array<i32>} : memref<40x1024xi32, #tpu.memory_space<vmem>>, vector<16xi32>,
      %swap3A_240 = arith.index_cast %scan3A_117 : i32 to index
      %swap3A_241 = arith.constant 656 : index
      %swap3A_242 = tpu.vector_load %arg7[%swap3A_240, %swap3A_241] {strides = array<i32>} : memref<40x1024xi32, #tpu.memory_space<vmem>>, vector<16xi32>,
      tpu.vector_store %arg7[%swap3A_240, %swap3A_241], %broadcast_in_dim3A_3 {strides = array<i32>} : memref<40x1024xi32, #tpu.memory_space<vmem>>, vector<16xi32>,
      %swap3A_243 = arith.index_cast %scan3A_117 : i32 to index
      %swap3A_244 = arith.constant 672 : index
      %swap3A_245 = tpu.vector_load %arg7[%swap3A_243, %swap3A_244] {strides = array<i32>} : memref<40x1024xi32, #tpu.memory_space<vmem>>, vector<16xi32>,
      tpu.vector_store %arg7[%swap3A_243, %swap3A_244], %broadcast_in_dim3A_3 {strides = array<i32>} : memref<40x1024xi32, #tpu.memory_space<vmem>>, vector<16xi32>,
      %swap3A_246 = arith.index_cast %scan3A_117 : i32 to index
      %swap3A_247 = arith.constant 688 : index
      %swap3A_248 = tpu.vector_load %arg7[%swap3A_246, %swap3A_247] {strides = array<i32>} : memref<40x1024xi32, #tpu.memory_space<vmem>>, vector<16xi32>,
      tpu.vector_store %arg7[%swap3A_246, %swap3A_247], %broadcast_in_dim3A_3 {strides = array<i32>} : memref<40x1024xi32, #tpu.memory_space<vmem>>, vector<16xi32>,
      %swap3A_249 = arith.index_cast %scan3A_117 : i32 to index
      %swap3A_250 = arith.constant 704 : index
      %swap3A_251 = tpu.vector_load %arg7[%swap3A_249, %swap3A_250] {strides = array<i32>} : memref<40x1024xi32, #tpu.memory_space<vmem>>, vector<16xi32>,
      tpu.vector_store %arg7[%swap3A_249, %swap3A_250], %broadcast_in_dim3A_3 {strides = array<i32>} : memref<40x1024xi32, #tpu.memory_space<vmem>>, vector<16xi32>,
      %swap3A_252 = arith.index_cast %scan3A_117 : i32 to index
      %swap3A_253 = arith.constant 720 : index
      %swap3A_254 = tpu.vector_load %arg7[%swap3A_252, %swap3A_253] {strides = array<i32>} : memref<40x1024xi32, #tpu.memory_space<vmem>>, vector<16xi32>,
      tpu.vector_store %arg7[%swap3A_252, %swap3A_253], %broadcast_in_dim3A_3 {strides = array<i32>} : memref<40x1024xi32, #tpu.memory_space<vmem>>, vector<16xi32>,
      %swap3A_255 = arith.index_cast %scan3A_117 : i32 to index
      %swap3A_256 = arith.constant 736 : index
      %swap3A_257 = tpu.vector_load %arg7[%swap3A_255, %swap3A_256] {strides = array<i32>} : memref<40x1024xi32, #tpu.memory_space<vmem>>, vector<16xi32>,
      tpu.vector_store %arg7[%swap3A_255, %swap3A_256], %broadcast_in_dim3A_3 {strides = array<i32>} : memref<40x1024xi32, #tpu.memory_space<vmem>>, vector<16xi32>,
      %swap3A_258 = arith.index_cast %scan3A_117 : i32 to index
      %swap3A_259 = arith.constant 752 : index
      %swap3A_260 = tpu.vector_load %arg7[%swap3A_258, %swap3A_259] {strides = array<i32>} : memref<40x1024xi32, #tpu.memory_space<vmem>>, vector<16xi32>,
      tpu.vector_store %arg7[%swap3A_258, %swap3A_259], %broadcast_in_dim3A_3 {strides = array<i32>} : memref<40x1024xi32, #tpu.memory_space<vmem>>, vector<16xi32>,
      %swap3A_261 = arith.index_cast %scan3A_117 : i32 to index
      %swap3A_262 = arith.constant 768 : index
      %swap3A_263 = tpu.vector_load %arg7[%swap3A_261, %swap3A_262] {strides = array<i32>} : memref<40x1024xi32, #tpu.memory_space<vmem>>, vector<16xi32>,
      tpu.vector_store %arg7[%swap3A_261, %swap3A_262], %broadcast_in_dim3A_3 {strides = array<i32>} : memref<40x1024xi32, #tpu.memory_space<vmem>>, vector<16xi32>,
      %swap3A_264 = arith.index_cast %scan3A_117 : i32 to index
      %swap3A_265 = arith.constant 784 : index
      %swap3A_266 = tpu.vector_load %arg7[%swap3A_264, %swap3A_265] {strides = array<i32>} : memref<40x1024xi32, #tpu.memory_space<vmem>>, vector<16xi32>,
      tpu.vector_store %arg7[%swap3A_264, %swap3A_265], %broadcast_in_dim3A_3 {strides = array<i32>} : memref<40x1024xi32, #tpu.memory_space<vmem>>, vector<16xi32>,
      %swap3A_267 = arith.index_cast %scan3A_117 : i32 to index
      %swap3A_268 = arith.constant 800 : index
      %swap3A_269 = tpu.vector_load %arg7[%swap3A_267, %swap3A_268] {strides = array<i32>} : memref<40x1024xi32, #tpu.memory_space<vmem>>, vector<16xi32>,
      tpu.vector_store %arg7[%swap3A_267, %swap3A_268], %broadcast_in_dim3A_3 {strides = array<i32>} : memref<40x1024xi32, #tpu.memory_space<vmem>>, vector<16xi32>,
      %swap3A_270 = arith.index_cast %scan3A_117 : i32 to index
      %swap3A_271 = arith.constant 816 : index
      %swap3A_272 = tpu.vector_load %arg7[%swap3A_270, %swap3A_271] {strides = array<i32>} : memref<40x1024xi32, #tpu.memory_space<vmem>>, vector<16xi32>,
      tpu.vector_store %arg7[%swap3A_270, %swap3A_271], %broadcast_in_dim3A_3 {strides = array<i32>} : memref<40x1024xi32, #tpu.memory_space<vmem>>, vector<16xi32>,
      %swap3A_273 = arith.index_cast %scan3A_117 : i32 to index
      %swap3A_274 = arith.constant 832 : index
      %swap3A_275 = tpu.vector_load %arg7[%swap3A_273, %swap3A_274] {strides = array<i32>} : memref<40x1024xi32, #tpu.memory_space<vmem>>, vector<16xi32>,
      tpu.vector_store %arg7[%swap3A_273, %swap3A_274], %broadcast_in_dim3A_3 {strides = array<i32>} : memref<40x1024xi32, #tpu.memory_space<vmem>>, vector<16xi32>,
      %swap3A_276 = arith.index_cast %scan3A_117 : i32 to index
      %swap3A_277 = arith.constant 848 : index
      %swap3A_278 = tpu.vector_load %arg7[%swap3A_276, %swap3A_277] {strides = array<i32>} : memref<40x1024xi32, #tpu.memory_space<vmem>>, vector<16xi32>,
      tpu.vector_store %arg7[%swap3A_276, %swap3A_277], %broadcast_in_dim3A_3 {strides = array<i32>} : memref<40x1024xi32, #tpu.memory_space<vmem>>, vector<16xi32>,
      %swap3A_279 = arith.index_cast %scan3A_117 : i32 to index
      %swap3A_280 = arith.constant 864 : index
      %swap3A_281 = tpu.vector_load %arg7[%swap3A_279, %swap3A_280] {strides = array<i32>} : memref<40x1024xi32, #tpu.memory_space<vmem>>, vector<16xi32>,
      tpu.vector_store %arg7[%swap3A_279, %swap3A_280], %broadcast_in_dim3A_3 {strides = array<i32>} : memref<40x1024xi32, #tpu.memory_space<vmem>>, vector<16xi32>,
      %swap3A_282 = arith.index_cast %scan3A_117 : i32 to index
      %swap3A_283 = arith.constant 880 : index
      %swap3A_284 = tpu.vector_load %arg7[%swap3A_282, %swap3A_283] {strides = array<i32>} : memref<40x1024xi32, #tpu.memory_space<vmem>>, vector<16xi32>,
      tpu.vector_store %arg7[%swap3A_282, %swap3A_283], %broadcast_in_dim3A_3 {strides = array<i32>} : memref<40x1024xi32, #tpu.memory_space<vmem>>, vector<16xi32>,
      %swap3A_285 = arith.index_cast %scan3A_117 : i32 to index
      %swap3A_286 = arith.constant 896 : index
      %swap3A_287 = tpu.vector_load %arg7[%swap3A_285, %swap3A_286] {strides = array<i32>} : memref<40x1024xi32, #tpu.memory_space<vmem>>, vector<16xi32>,
      tpu.vector_store %arg7[%swap3A_285, %swap3A_286], %broadcast_in_dim3A_3 {strides = array<i32>} : memref<40x1024xi32, #tpu.memory_space<vmem>>, vector<16xi32>,
      %swap3A_288 = arith.index_cast %scan3A_117 : i32 to index
      %swap3A_289 = arith.constant 912 : index
      %swap3A_290 = tpu.vector_load %arg7[%swap3A_288, %swap3A_289] {strides = array<i32>} : memref<40x1024xi32, #tpu.memory_space<vmem>>, vector<16xi32>,
      tpu.vector_store %arg7[%swap3A_288, %swap3A_289], %broadcast_in_dim3A_3 {strides = array<i32>} : memref<40x1024xi32, #tpu.memory_space<vmem>>, vector<16xi32>,
      %swap3A_291 = arith.index_cast %scan3A_117 : i32 to index
      %swap3A_292 = arith.constant 928 : index
      %swap3A_293 = tpu.vector_load %arg7[%swap3A_291, %swap3A_292] {strides = array<i32>} : memref<40x1024xi32, #tpu.memory_space<vmem>>, vector<16xi32>,
      tpu.vector_store %arg7[%swap3A_291, %swap3A_292], %broadcast_in_dim3A_3 {strides = array<i32>} : memref<40x1024xi32, #tpu.memory_space<vmem>>, vector<16xi32>,
      %swap3A_294 = arith.index_cast %scan3A_117 : i32 to index
      %swap3A_295 = arith.constant 944 : index
      %swap3A_296 = tpu.vector_load %arg7[%swap3A_294, %swap3A_295] {strides = array<i32>} : memref<40x1024xi32, #tpu.memory_space<vmem>>, vector<16xi32>,
      tpu.vector_store %arg7[%swap3A_294, %swap3A_295], %broadcast_in_dim3A_3 {strides = array<i32>} : memref<40x1024xi32, #tpu.memory_space<vmem>>, vector<16xi32>,
      %swap3A_297 = arith.index_cast %scan3A_117 : i32 to index
      %swap3A_298 = arith.constant 960 : index
      %swap3A_299 = tpu.vector_load %arg7[%swap3A_297, %swap3A_298] {strides = array<i32>} : memref<40x1024xi32, #tpu.memory_space<vmem>>, vector<16xi32>,
      tpu.vector_store %arg7[%swap3A_297, %swap3A_298], %broadcast_in_dim3A_3 {strides = array<i32>} : memref<40x1024xi32, #tpu.memory_space<vmem>>, vector<16xi32>,
      %swap3A_300 = arith.index_cast %scan3A_117 : i32 to index
      %swap3A_301 = arith.constant 976 : index
      %swap3A_302 = tpu.vector_load %arg7[%swap3A_300, %swap3A_301] {strides = array<i32>} : memref<40x1024xi32, #tpu.memory_space<vmem>>, vector<16xi32>,
      tpu.vector_store %arg7[%swap3A_300, %swap3A_301], %broadcast_in_dim3A_3 {strides = array<i32>} : memref<40x1024xi32, #tpu.memory_space<vmem>>, vector<16xi32>,
      %swap3A_303 = arith.index_cast %scan3A_117 : i32 to index
      %swap3A_304 = arith.constant 992 : index
      %swap3A_305 = tpu.vector_load %arg7[%swap3A_303, %swap3A_304] {strides = array<i32>} : memref<40x1024xi32, #tpu.memory_space<vmem>>, vector<16xi32>,
      tpu.vector_store %arg7[%swap3A_303, %swap3A_304], %broadcast_in_dim3A_3 {strides = array<i32>} : memref<40x1024xi32, #tpu.memory_space<vmem>>, vector<16xi32>,
      %swap3A_306 = arith.index_cast %scan3A_117 : i32 to index
      %swap3A_307 = arith.constant 1008 : index
      %swap3A_308 = tpu.vector_load %arg7[%swap3A_306, %swap3A_307] {strides = array<i32>} : memref<40x1024xi32, #tpu.memory_space<vmem>>, vector<16xi32>,
      tpu.vector_store %arg7[%swap3A_306, %swap3A_307], %broadcast_in_dim3A_3 {strides = array<i32>} : memref<40x1024xi32, #tpu.memory_space<vmem>>, vector<16xi32>,
    }
    %scan3A_40 = arith.constant 40 : i32
    %scan3A_41 = arith.constant 0 : i32
    %scan3A_42 = arith.constant 9 : i32
    %scan3A_43 = arith.addi %scan3A_41, %scan3A_42 : i32
    %scan3A_44 = arith.constant 1 : i32
    scf.for %scan3A_117 = %scan3A_41 to %scan3A_43 step %scan3A_44  : i32 {
      %mul3A_118 = arith.constant 2 : i32
      %mul3A_119 = arith.muli %mul3A_118, %scan3A_117 : i32
      %add3A_120 = arith.constant 1 : i32
      %add3A_121 = arith.addi %mul3A_119, %add3A_120 : i32
      %mul3A_122 = arith.constant 32 : i32
      %mul3A_123 = arith.muli %add3A_121, %mul3A_122 : i32
      %add3A_124 = arith.addi %add3A, %mul3A_123 : i32
      %mul3A_125 = arith.constant 40 : i32
      %mul3A_126 = arith.muli %add3A_124, %mul3A_125 : i32
      %gt3A = arith.constant 1 : i32
      %gt3A_127 = arith.cmpi sgt, %add3A_121, %gt3A : i32
      %convert_element_type3A_128 = arith.extui %gt3A_127 : i1 to i32
      %cond3A_129 = arith.constant 0 : i32
      %cond3A_130 = arith.cmpi ne, %convert_element_type3A_128, %cond3A_129 : i32
      scf.if %cond3A_130 {
        %sub3A_211 = arith.constant 2560 : i32
        %sub3A_212 = arith.subi %mul3A_126, %sub3A_211 : i32
        %dma_wait3A_213 = arith.constant 0 : i32
        %dma_wait3A_214 = tpu.memref_slice %arg3[%sub3A_212, %dma_wait3A_213] : memref<26000x1024xi32, #tpu.memory_space<hbm>> -> memref<40x1024xi32, #tpu.memory_space<hbm>>
        %dma_wait3A_215 = arith.constant 0 : i32
        %dma_wait3A_216 = tpu.memref_slice %arg3[%sub3A_212, %dma_wait3A_215] : memref<26000x1024xi32, #tpu.memory_space<hbm>> -> memref<40x1024xi32, #tpu.memory_space<hbm>>
        tpu.wait_dma2 semaphore(%arg9 : memref<!tpu.dma_semaphore, #tpu.memory_space<semaphore_mem>>) src(%arg7 : memref<40x1024xi32, #tpu.memory_space<vmem>>) dst(%dma_wait3A_216 : memref<40x1024xi32, #tpu.memory_space<hbm>>)
        %scan3A_217 = arith.constant 0 : i32
        %scan3A_218 = arith.constant 16 : i32
        %scan3A_219 = arith.addi %scan3A_217, %scan3A_218 : i32
        %scan3A_220 = arith.constant 1 : i32
        scf.for %scan3A_222 = %scan3A_217 to %scan3A_219 step %scan3A_220  : i32 {
          %mul3A_223 = arith.constant 4 : i32
          %mul3A_224 = arith.muli %scan3A_222, %mul3A_223 : i32
          %add3A_225 = arith.constant 0 : i32
          %add3A_226 = arith.addi %mul3A_224, %add3A_225 : i32
          %mul3A_227 = arith.constant 16 : i32
          %mul3A_228 = arith.muli %add3A_226, %mul3A_227 : i32
          %add3A_229 = vector.broadcast %mul3A_228 : i32 to vector<16xi32>
          %add3A_230 = arith.addi %add3A_229, %iota3A : vector<16xi32>
          %mul3A_231 = arith.constant 16 : i32
          %mul3A_232 = arith.muli %add3A_226, %mul3A_231 : i32
          %multiple_of3A = tpu.assume_multiple %mul3A_232, 16 : i32
          %get3A = arith.index_cast %multiple_of3A : i32 to index
          %get3A_233 = tpu.vector_load %arg5[%get3A] {strides = array<i32>} : memref<1024xi32, #tpu.memory_space<vmem>>, vector<16xi32>,
          %ge3A = vector.broadcast %sub3A_212 : i32 to vector<16xi32>
          %ge3A_234 = arith.cmpi sge, %get3A_233, %ge3A : vector<16xi32>
          %add3A_235 = arith.constant 40 : i32
          %add3A_236 = arith.addi %sub3A_212, %add3A_235 : i32
          %lt3A_237 = vector.broadcast %add3A_236 : i32 to vector<16xi32>
          %lt3A_238 = arith.cmpi slt, %get3A_233, %lt3A_237 : vector<16xi32>
          %and3A_239 = arith.andi %ge3A_234, %lt3A_238 : vector<16xi1>
          %sub3A_240 = vector.broadcast %sub3A_212 : i32 to vector<16xi32>
          %sub3A_241 = arith.subi %get3A_233, %sub3A_240 : vector<16xi32>
          tpu.vector_store_idx %arg7[%sub3A_241, %add3A_230], %broadcast_in_dim3A_3 masked %and3A_239 : memref<40x1024xi32, #tpu.memory_space<vmem>>[vector<16xi32>, vector<16xi32>], vector<16xi32>, vector<16xi1>
          %mul3A_242 = arith.constant 4 : i32
          %mul3A_243 = arith.muli %scan3A_222, %mul3A_242 : i32
          %add3A_244 = arith.constant 1 : i32
          %add3A_245 = arith.addi %mul3A_243, %add3A_244 : i32
          %mul3A_246 = arith.constant 16 : i32
          %mul3A_247 = arith.muli %add3A_245, %mul3A_246 : i32
          %add3A_248 = vector.broadcast %mul3A_247 : i32 to vector<16xi32>
          %add3A_249 = arith.addi %add3A_248, %iota3A : vector<16xi32>
          %mul3A_250 = arith.constant 16 : i32
          %mul3A_251 = arith.muli %add3A_245, %mul3A_250 : i32
          %multiple_of3A_252 = tpu.assume_multiple %mul3A_251, 16 : i32
          %get3A_253 = arith.index_cast %multiple_of3A_252 : i32 to index
          %get3A_254 = tpu.vector_load %arg5[%get3A_253] {strides = array<i32>} : memref<1024xi32, #tpu.memory_space<vmem>>, vector<16xi32>,
          %ge3A_255 = vector.broadcast %sub3A_212 : i32 to vector<16xi32>
          %ge3A_256 = arith.cmpi sge, %get3A_254, %ge3A_255 : vector<16xi32>
          %add3A_257 = arith.constant 40 : i32
          %add3A_258 = arith.addi %sub3A_212, %add3A_257 : i32
          %lt3A_259 = vector.broadcast %add3A_258 : i32 to vector<16xi32>
          %lt3A_260 = arith.cmpi slt, %get3A_254, %lt3A_259 : vector<16xi32>
          %and3A_261 = arith.andi %ge3A_256, %lt3A_260 : vector<16xi1>
          %sub3A_262 = vector.broadcast %sub3A_212 : i32 to vector<16xi32>
          %sub3A_263 = arith.subi %get3A_254, %sub3A_262 : vector<16xi32>
          tpu.vector_store_idx %arg7[%sub3A_263, %add3A_249], %broadcast_in_dim3A_3 masked %and3A_261 : memref<40x1024xi32, #tpu.memory_space<vmem>>[vector<16xi32>, vector<16xi32>], vector<16xi32>, vector<16xi1>
          %mul3A_264 = arith.constant 4 : i32
          %mul3A_265 = arith.muli %scan3A_222, %mul3A_264 : i32
          %add3A_266 = arith.constant 2 : i32
          %add3A_267 = arith.addi %mul3A_265, %add3A_266 : i32
          %mul3A_268 = arith.constant 16 : i32
          %mul3A_269 = arith.muli %add3A_267, %mul3A_268 : i32
          %add3A_270 = vector.broadcast %mul3A_269 : i32 to vector<16xi32>
          %add3A_271 = arith.addi %add3A_270, %iota3A : vector<16xi32>
          %mul3A_272 = arith.constant 16 : i32
          %mul3A_273 = arith.muli %add3A_267, %mul3A_272 : i32
          %multiple_of3A_274 = tpu.assume_multiple %mul3A_273, 16 : i32
          %get3A_275 = arith.index_cast %multiple_of3A_274 : i32 to index
          %get3A_276 = tpu.vector_load %arg5[%get3A_275] {strides = array<i32>} : memref<1024xi32, #tpu.memory_space<vmem>>, vector<16xi32>,
          %ge3A_277 = vector.broadcast %sub3A_212 : i32 to vector<16xi32>
          %ge3A_278 = arith.cmpi sge, %get3A_276, %ge3A_277 : vector<16xi32>
          %add3A_279 = arith.constant 40 : i32
          %add3A_280 = arith.addi %sub3A_212, %add3A_279 : i32
          %lt3A_281 = vector.broadcast %add3A_280 : i32 to vector<16xi32>
          %lt3A_282 = arith.cmpi slt, %get3A_276, %lt3A_281 : vector<16xi32>
          %and3A_283 = arith.andi %ge3A_278, %lt3A_282 : vector<16xi1>
          %sub3A_284 = vector.broadcast %sub3A_212 : i32 to vector<16xi32>
          %sub3A_285 = arith.subi %get3A_276, %sub3A_284 : vector<16xi32>
          tpu.vector_store_idx %arg7[%sub3A_285, %add3A_271], %broadcast_in_dim3A_3 masked %and3A_283 : memref<40x1024xi32, #tpu.memory_space<vmem>>[vector<16xi32>, vector<16xi32>], vector<16xi32>, vector<16xi1>
          %mul3A_286 = arith.constant 4 : i32
          %mul3A_287 = arith.muli %scan3A_222, %mul3A_286 : i32
          %add3A_288 = arith.constant 3 : i32
          %add3A_289 = arith.addi %mul3A_287, %add3A_288 : i32
          %mul3A_290 = arith.constant 16 : i32
          %mul3A_291 = arith.muli %add3A_289, %mul3A_290 : i32
          %add3A_292 = vector.broadcast %mul3A_291 : i32 to vector<16xi32>
          %add3A_293 = arith.addi %add3A_292, %iota3A : vector<16xi32>
          %mul3A_294 = arith.constant 16 : i32
          %mul3A_295 = arith.muli %add3A_289, %mul3A_294 : i32
          %multiple_of3A_296 = tpu.assume_multiple %mul3A_295, 16 : i32
          %get3A_297 = arith.index_cast %multiple_of3A_296 : i32 to index
          %get3A_298 = tpu.vector_load %arg5[%get3A_297] {strides = array<i32>} : memref<1024xi32, #tpu.memory_space<vmem>>, vector<16xi32>,
          %ge3A_299 = vector.broadcast %sub3A_212 : i32 to vector<16xi32>
          %ge3A_300 = arith.cmpi sge, %get3A_298, %ge3A_299 : vector<16xi32>
          %add3A_301 = arith.constant 40 : i32
          %add3A_302 = arith.addi %sub3A_212, %add3A_301 : i32
          %lt3A_303 = vector.broadcast %add3A_302 : i32 to vector<16xi32>
          %lt3A_304 = arith.cmpi slt, %get3A_298, %lt3A_303 : vector<16xi32>
          %and3A_305 = arith.andi %ge3A_300, %lt3A_304 : vector<16xi1>
          %sub3A_306 = vector.broadcast %sub3A_212 : i32 to vector<16xi32>
          %sub3A_307 = arith.subi %get3A_298, %sub3A_306 : vector<16xi32>
          tpu.vector_store_idx %arg7[%sub3A_307, %add3A_293], %broadcast_in_dim3A_3 masked %and3A_305 : memref<40x1024xi32, #tpu.memory_space<vmem>>[vector<16xi32>, vector<16xi32>], vector<16xi32>, vector<16xi1>
        }
        %scan3A_221 = arith.constant 16 : i32
      } else {
      }
      %jit3A_131 = arith.constant 1000 : i32
      %div3A_132 = arith.divsi %mul3A_126, %jit3A_131 : i32
      %sign3A_133 = arith.constant 0 : i32
      %sign3A_134 = arith.cmpi sgt, %mul3A_126, %sign3A_133 : i32
      %sign3A_135 = arith.extui %sign3A_134 : i1 to i32
      %sign3A_136 = arith.constant 0 : i32
      %sign3A_137 = arith.cmpi slt, %mul3A_126, %sign3A_136 : i32
      %sign3A_138 = arith.extui %sign3A_137 : i1 to i32
      %sign3A_139 = arith.subi %sign3A_135, %sign3A_138 : i32
      %sign3A_140 = arith.constant 0 : i32
      %sign3A_141 = arith.cmpi sgt, %jit3A_131, %sign3A_140 : i32
      %sign3A_142 = arith.extui %sign3A_141 : i1 to i32
      %sign3A_143 = arith.constant 0 : i32
      %sign3A_144 = arith.cmpi slt, %jit3A_131, %sign3A_143 : i32
      %sign3A_145 = arith.extui %sign3A_144 : i1 to i32
      %sign3A_146 = arith.subi %sign3A_142, %sign3A_145 : i32
      %ne3A_147 = arith.cmpi ne, %sign3A_139, %sign3A_146 : i32
      %rem3A_148 = arith.remsi %mul3A_126, %jit3A_131 : i32
      %ne3A_149 = arith.constant 0 : i32
      %ne3A_150 = arith.cmpi ne, %rem3A_148, %ne3A_149 : i32
      %and3A_151 = arith.andi %ne3A_147, %ne3A_150 : i1
      %sub3A_152 = arith.constant 1 : i32
      %sub3A_153 = arith.subi %div3A_132, %sub3A_152 : i32
      %select_n3A_154 = arith.select %and3A_151, %sub3A_153, %div3A_132 : i32
      "tpu.region"() ({
        %run_scoped3A = tpu.sem_alloc : memref<!tpu.dma_semaphore, #tpu.memory_space<semaphore_mem>>
        %dma_start3A_211 = arith.constant 0 : i32
        %dma_start3A_212 = tpu.memref_slice %arg2[%select_n3A_154, %dma_start3A_211] : memref<26x1024xi32, #tpu.memory_space<hbm>> -> memref<1x1024xi32, #tpu.memory_space<hbm>>
        %dma_start3A_213 = tpu.memref_squeeze %dma_start3A_212 : memref<1x1024xi32, #tpu.memory_space<hbm>> -> memref<1024xi32, #tpu.memory_space<hbm>>
        %dma_start3A_214 = arith.constant 0 : i32
        %dma_start3A_215 = tpu.memref_slice %arg2[%select_n3A_154, %dma_start3A_214] : memref<26x1024xi32, #tpu.memory_space<hbm>> -> memref<1x1024xi32, #tpu.memory_space<hbm>>
        %dma_start3A_216 = tpu.memref_squeeze %dma_start3A_215 : memref<1x1024xi32, #tpu.memory_space<hbm>> -> memref<1024xi32, #tpu.memory_space<hbm>>
        tpu.enqueue_dma source(%dma_start3A_216 : memref<1024xi32, #tpu.memory_space<hbm>>) target(%arg5 : memref<1024xi32, #tpu.memory_space<vmem>>) target_semaphore(%run_scoped3A : memref<!tpu.dma_semaphore, #tpu.memory_space<semaphore_mem>>)
        %dma_wait3A_217 = arith.constant 0 : i32
        %dma_wait3A_218 = tpu.memref_slice %arg2[%select_n3A_154, %dma_wait3A_217] : memref<26x1024xi32, #tpu.memory_space<hbm>> -> memref<1x1024xi32, #tpu.memory_space<hbm>>
        %dma_wait3A_219 = tpu.memref_squeeze %dma_wait3A_218 : memref<1x1024xi32, #tpu.memory_space<hbm>> -> memref<1024xi32, #tpu.memory_space<hbm>>
        %dma_wait3A_220 = arith.constant 0 : i32
        %dma_wait3A_221 = tpu.memref_slice %arg2[%select_n3A_154, %dma_wait3A_220] : memref<26x1024xi32, #tpu.memory_space<hbm>> -> memref<1x1024xi32, #tpu.memory_space<hbm>>
        %dma_wait3A_222 = tpu.memref_squeeze %dma_wait3A_221 : memref<1x1024xi32, #tpu.memory_space<hbm>> -> memref<1024xi32, #tpu.memory_space<hbm>>
        tpu.wait_dma2 semaphore(%run_scoped3A : memref<!tpu.dma_semaphore, #tpu.memory_space<semaphore_mem>>) src(%dma_wait3A_222 : memref<1024xi32, #tpu.memory_space<hbm>>) dst(%arg5 : memref<1024xi32, #tpu.memory_space<vmem>>)
        tpu.yield
      }) : () -> ()
      %scan3A_155 = arith.constant 0 : i32
      %scan3A_156 = arith.constant 16 : i32
      %scan3A_157 = arith.addi %scan3A_155, %scan3A_156 : i32
      %scan3A_158 = arith.constant 1 : i32
      scf.for %scan3A_211 = %scan3A_155 to %scan3A_157 step %scan3A_158  : i32 {
        %mul3A_212 = arith.constant 4 : i32
        %mul3A_213 = arith.muli %scan3A_211, %mul3A_212 : i32
        %add3A_214 = arith.constant 0 : i32
        %add3A_215 = arith.addi %mul3A_213, %add3A_214 : i32
        %mul3A_216 = arith.constant 16 : i32
        %mul3A_217 = arith.muli %add3A_215, %mul3A_216 : i32
        %add3A_218 = vector.broadcast %mul3A_217 : i32 to vector<16xi32>
        %add3A_219 = arith.addi %add3A_218, %iota3A : vector<16xi32>
        %mul3A_220 = arith.constant 16 : i32
        %mul3A_221 = arith.muli %add3A_215, %mul3A_220 : i32
        %multiple_of3A = tpu.assume_multiple %mul3A_221, 16 : i32
        %get3A = arith.index_cast %multiple_of3A : i32 to index
        %get3A_222 = tpu.vector_load %arg5[%get3A] {strides = array<i32>} : memref<1024xi32, #tpu.memory_space<vmem>>, vector<16xi32>,
        %ge3A = vector.broadcast %mul3A_126 : i32 to vector<16xi32>
        %ge3A_223 = arith.cmpi sge, %get3A_222, %ge3A : vector<16xi32>
        %add3A_224 = arith.constant 40 : i32
        %add3A_225 = arith.addi %mul3A_126, %add3A_224 : i32
        %lt3A_226 = vector.broadcast %add3A_225 : i32 to vector<16xi32>
        %lt3A_227 = arith.cmpi slt, %get3A_222, %lt3A_226 : vector<16xi32>
        %and3A_228 = arith.andi %ge3A_223, %lt3A_227 : vector<16xi1>
        %sub3A_229 = vector.broadcast %mul3A_126 : i32 to vector<16xi32>
        %sub3A_230 = arith.subi %get3A_222, %sub3A_229 : vector<16xi32>
        tpu.vector_store_idx %arg7[%sub3A_230, %add3A_219], %broadcast_in_dim3A_1 masked %and3A_228 : memref<40x1024xi32, #tpu.memory_space<vmem>>[vector<16xi32>, vector<16xi32>], vector<16xi32>, vector<16xi1>
        %mul3A_231 = arith.constant 4 : i32
        %mul3A_232 = arith.muli %scan3A_211, %mul3A_231 : i32
        %add3A_233 = arith.constant 1 : i32
        %add3A_234 = arith.addi %mul3A_232, %add3A_233 : i32
        %mul3A_235 = arith.constant 16 : i32
        %mul3A_236 = arith.muli %add3A_234, %mul3A_235 : i32
        %add3A_237 = vector.broadcast %mul3A_236 : i32 to vector<16xi32>
        %add3A_238 = arith.addi %add3A_237, %iota3A : vector<16xi32>
        %mul3A_239 = arith.constant 16 : i32
        %mul3A_240 = arith.muli %add3A_234, %mul3A_239 : i32
        %multiple_of3A_241 = tpu.assume_multiple %mul3A_240, 16 : i32
        %get3A_242 = arith.index_cast %multiple_of3A_241 : i32 to index
        %get3A_243 = tpu.vector_load %arg5[%get3A_242] {strides = array<i32>} : memref<1024xi32, #tpu.memory_space<vmem>>, vector<16xi32>,
        %ge3A_244 = vector.broadcast %mul3A_126 : i32 to vector<16xi32>
        %ge3A_245 = arith.cmpi sge, %get3A_243, %ge3A_244 : vector<16xi32>
        %add3A_246 = arith.constant 40 : i32
        %add3A_247 = arith.addi %mul3A_126, %add3A_246 : i32
        %lt3A_248 = vector.broadcast %add3A_247 : i32 to vector<16xi32>
        %lt3A_249 = arith.cmpi slt, %get3A_243, %lt3A_248 : vector<16xi32>
        %and3A_250 = arith.andi %ge3A_245, %lt3A_249 : vector<16xi1>
        %sub3A_251 = vector.broadcast %mul3A_126 : i32 to vector<16xi32>
        %sub3A_252 = arith.subi %get3A_243, %sub3A_251 : vector<16xi32>
        tpu.vector_store_idx %arg7[%sub3A_252, %add3A_238], %broadcast_in_dim3A_1 masked %and3A_250 : memref<40x1024xi32, #tpu.memory_space<vmem>>[vector<16xi32>, vector<16xi32>], vector<16xi32>, vector<16xi1>
        %mul3A_253 = arith.constant 4 : i32
        %mul3A_254 = arith.muli %scan3A_211, %mul3A_253 : i32
        %add3A_255 = arith.constant 2 : i32
        %add3A_256 = arith.addi %mul3A_254, %add3A_255 : i32
        %mul3A_257 = arith.constant 16 : i32
        %mul3A_258 = arith.muli %add3A_256, %mul3A_257 : i32
        %add3A_259 = vector.broadcast %mul3A_258 : i32 to vector<16xi32>
        %add3A_260 = arith.addi %add3A_259, %iota3A : vector<16xi32>
        %mul3A_261 = arith.constant 16 : i32
        %mul3A_262 = arith.muli %add3A_256, %mul3A_261 : i32
        %multiple_of3A_263 = tpu.assume_multiple %mul3A_262, 16 : i32
        %get3A_264 = arith.index_cast %multiple_of3A_263 : i32 to index
        %get3A_265 = tpu.vector_load %arg5[%get3A_264] {strides = array<i32>} : memref<1024xi32, #tpu.memory_space<vmem>>, vector<16xi32>,
        %ge3A_266 = vector.broadcast %mul3A_126 : i32 to vector<16xi32>
        %ge3A_267 = arith.cmpi sge, %get3A_265, %ge3A_266 : vector<16xi32>
        %add3A_268 = arith.constant 40 : i32
        %add3A_269 = arith.addi %mul3A_126, %add3A_268 : i32
        %lt3A_270 = vector.broadcast %add3A_269 : i32 to vector<16xi32>
        %lt3A_271 = arith.cmpi slt, %get3A_265, %lt3A_270 : vector<16xi32>
        %and3A_272 = arith.andi %ge3A_267, %lt3A_271 : vector<16xi1>
        %sub3A_273 = vector.broadcast %mul3A_126 : i32 to vector<16xi32>
        %sub3A_274 = arith.subi %get3A_265, %sub3A_273 : vector<16xi32>
        tpu.vector_store_idx %arg7[%sub3A_274, %add3A_260], %broadcast_in_dim3A_1 masked %and3A_272 : memref<40x1024xi32, #tpu.memory_space<vmem>>[vector<16xi32>, vector<16xi32>], vector<16xi32>, vector<16xi1>
        %mul3A_275 = arith.constant 4 : i32
        %mul3A_276 = arith.muli %scan3A_211, %mul3A_275 : i32
        %add3A_277 = arith.constant 3 : i32
        %add3A_278 = arith.addi %mul3A_276, %add3A_277 : i32
        %mul3A_279 = arith.constant 16 : i32
        %mul3A_280 = arith.muli %add3A_278, %mul3A_279 : i32
        %add3A_281 = vector.broadcast %mul3A_280 : i32 to vector<16xi32>
        %add3A_282 = arith.addi %add3A_281, %iota3A : vector<16xi32>
        %mul3A_283 = arith.constant 16 : i32
        %mul3A_284 = arith.muli %add3A_278, %mul3A_283 : i32
        %multiple_of3A_285 = tpu.assume_multiple %mul3A_284, 16 : i32
        %get3A_286 = arith.index_cast %multiple_of3A_285 : i32 to index
        %get3A_287 = tpu.vector_load %arg5[%get3A_286] {strides = array<i32>} : memref<1024xi32, #tpu.memory_space<vmem>>, vector<16xi32>,
        %ge3A_288 = vector.broadcast %mul3A_126 : i32 to vector<16xi32>
        %ge3A_289 = arith.cmpi sge, %get3A_287, %ge3A_288 : vector<16xi32>
        %add3A_290 = arith.constant 40 : i32
        %add3A_291 = arith.addi %mul3A_126, %add3A_290 : i32
        %lt3A_292 = vector.broadcast %add3A_291 : i32 to vector<16xi32>
        %lt3A_293 = arith.cmpi slt, %get3A_287, %lt3A_292 : vector<16xi32>
        %and3A_294 = arith.andi %ge3A_289, %lt3A_293 : vector<16xi1>
        %sub3A_295 = vector.broadcast %mul3A_126 : i32 to vector<16xi32>
        %sub3A_296 = arith.subi %get3A_287, %sub3A_295 : vector<16xi32>
        tpu.vector_store_idx %arg7[%sub3A_296, %add3A_282], %broadcast_in_dim3A_1 masked %and3A_294 : memref<40x1024xi32, #tpu.memory_space<vmem>>[vector<16xi32>, vector<16xi32>], vector<16xi32>, vector<16xi1>
      }
      %scan3A_159 = arith.constant 16 : i32
      %dma_start3A_160 = arith.constant 0 : i32
      %dma_start3A_161 = tpu.memref_slice %arg3[%mul3A_126, %dma_start3A_160] : memref<26000x1024xi32, #tpu.memory_space<hbm>> -> memref<40x1024xi32, #tpu.memory_space<hbm>>
      %dma_start3A_162 = arith.constant 0 : i32
      %dma_start3A_163 = tpu.memref_slice %arg3[%mul3A_126, %dma_start3A_162] : memref<26000x1024xi32, #tpu.memory_space<hbm>> -> memref<40x1024xi32, #tpu.memory_space<hbm>>
      tpu.enqueue_dma source(%arg7 : memref<40x1024xi32, #tpu.memory_space<vmem>>) target(%dma_start3A_163 : memref<40x1024xi32, #tpu.memory_space<hbm>>) target_semaphore(%arg9 : memref<!tpu.dma_semaphore, #tpu.memory_space<semaphore_mem>>)
      %mul3A_164 = arith.constant 2 : i32
      %mul3A_165 = arith.muli %mul3A_164, %scan3A_117 : i32
      %add3A_166 = arith.constant 2 : i32
      %add3A_167 = arith.addi %mul3A_165, %add3A_166 : i32
      %mul3A_168 = arith.constant 32 : i32
      %mul3A_169 = arith.muli %add3A_167, %mul3A_168 : i32
      %add3A_170 = arith.addi %add3A, %mul3A_169 : i32
      %mul3A_171 = arith.constant 40 : i32
      %mul3A_172 = arith.muli %add3A_170, %mul3A_171 : i32
      %gt3A_173 = arith.constant 1 : i32
      %gt3A_174 = arith.cmpi sgt, %add3A_167, %gt3A_173 : i32
      %convert_element_type3A_175 = arith.extui %gt3A_174 : i1 to i32
      %cond3A_176 = arith.constant 0 : i32
      %cond3A_177 = arith.cmpi ne, %convert_element_type3A_175, %cond3A_176 : i32
      scf.if %cond3A_177 {
        %sub3A_211 = arith.constant 2560 : i32
        %sub3A_212 = arith.subi %mul3A_172, %sub3A_211 : i32
        %dma_wait3A_213 = arith.constant 0 : i32
        %dma_wait3A_214 = tpu.memref_slice %arg3[%sub3A_212, %dma_wait3A_213] : memref<26000x1024xi32, #tpu.memory_space<hbm>> -> memref<40x1024xi32, #tpu.memory_space<hbm>>
        %dma_wait3A_215 = arith.constant 0 : i32
        %dma_wait3A_216 = tpu.memref_slice %arg3[%sub3A_212, %dma_wait3A_215] : memref<26000x1024xi32, #tpu.memory_space<hbm>> -> memref<40x1024xi32, #tpu.memory_space<hbm>>
        tpu.wait_dma2 semaphore(%arg8 : memref<!tpu.dma_semaphore, #tpu.memory_space<semaphore_mem>>) src(%arg6 : memref<40x1024xi32, #tpu.memory_space<vmem>>) dst(%dma_wait3A_216 : memref<40x1024xi32, #tpu.memory_space<hbm>>)
        %scan3A_217 = arith.constant 0 : i32
        %scan3A_218 = arith.constant 16 : i32
        %scan3A_219 = arith.addi %scan3A_217, %scan3A_218 : i32
        %scan3A_220 = arith.constant 1 : i32
        scf.for %scan3A_222 = %scan3A_217 to %scan3A_219 step %scan3A_220  : i32 {
          %mul3A_223 = arith.constant 4 : i32
          %mul3A_224 = arith.muli %scan3A_222, %mul3A_223 : i32
          %add3A_225 = arith.constant 0 : i32
          %add3A_226 = arith.addi %mul3A_224, %add3A_225 : i32
          %mul3A_227 = arith.constant 16 : i32
          %mul3A_228 = arith.muli %add3A_226, %mul3A_227 : i32
          %add3A_229 = vector.broadcast %mul3A_228 : i32 to vector<16xi32>
          %add3A_230 = arith.addi %add3A_229, %iota3A : vector<16xi32>
          %mul3A_231 = arith.constant 16 : i32
          %mul3A_232 = arith.muli %add3A_226, %mul3A_231 : i32
          %multiple_of3A = tpu.assume_multiple %mul3A_232, 16 : i32
          %get3A = arith.index_cast %multiple_of3A : i32 to index
          %get3A_233 = tpu.vector_load %arg4[%get3A] {strides = array<i32>} : memref<1024xi32, #tpu.memory_space<vmem>>, vector<16xi32>,
          %ge3A = vector.broadcast %sub3A_212 : i32 to vector<16xi32>
          %ge3A_234 = arith.cmpi sge, %get3A_233, %ge3A : vector<16xi32>
          %add3A_235 = arith.constant 40 : i32
          %add3A_236 = arith.addi %sub3A_212, %add3A_235 : i32
          %lt3A_237 = vector.broadcast %add3A_236 : i32 to vector<16xi32>
          %lt3A_238 = arith.cmpi slt, %get3A_233, %lt3A_237 : vector<16xi32>
          %and3A_239 = arith.andi %ge3A_234, %lt3A_238 : vector<16xi1>
          %sub3A_240 = vector.broadcast %sub3A_212 : i32 to vector<16xi32>
          %sub3A_241 = arith.subi %get3A_233, %sub3A_240 : vector<16xi32>
          tpu.vector_store_idx %arg6[%sub3A_241, %add3A_230], %broadcast_in_dim3A_3 masked %and3A_239 : memref<40x1024xi32, #tpu.memory_space<vmem>>[vector<16xi32>, vector<16xi32>], vector<16xi32>, vector<16xi1>
          %mul3A_242 = arith.constant 4 : i32
          %mul3A_243 = arith.muli %scan3A_222, %mul3A_242 : i32
          %add3A_244 = arith.constant 1 : i32
          %add3A_245 = arith.addi %mul3A_243, %add3A_244 : i32
          %mul3A_246 = arith.constant 16 : i32
          %mul3A_247 = arith.muli %add3A_245, %mul3A_246 : i32
          %add3A_248 = vector.broadcast %mul3A_247 : i32 to vector<16xi32>
          %add3A_249 = arith.addi %add3A_248, %iota3A : vector<16xi32>
          %mul3A_250 = arith.constant 16 : i32
          %mul3A_251 = arith.muli %add3A_245, %mul3A_250 : i32
          %multiple_of3A_252 = tpu.assume_multiple %mul3A_251, 16 : i32
          %get3A_253 = arith.index_cast %multiple_of3A_252 : i32 to index
          %get3A_254 = tpu.vector_load %arg4[%get3A_253] {strides = array<i32>} : memref<1024xi32, #tpu.memory_space<vmem>>, vector<16xi32>,
          %ge3A_255 = vector.broadcast %sub3A_212 : i32 to vector<16xi32>
          %ge3A_256 = arith.cmpi sge, %get3A_254, %ge3A_255 : vector<16xi32>
          %add3A_257 = arith.constant 40 : i32
          %add3A_258 = arith.addi %sub3A_212, %add3A_257 : i32
          %lt3A_259 = vector.broadcast %add3A_258 : i32 to vector<16xi32>
          %lt3A_260 = arith.cmpi slt, %get3A_254, %lt3A_259 : vector<16xi32>
          %and3A_261 = arith.andi %ge3A_256, %lt3A_260 : vector<16xi1>
          %sub3A_262 = vector.broadcast %sub3A_212 : i32 to vector<16xi32>
          %sub3A_263 = arith.subi %get3A_254, %sub3A_262 : vector<16xi32>
          tpu.vector_store_idx %arg6[%sub3A_263, %add3A_249], %broadcast_in_dim3A_3 masked %and3A_261 : memref<40x1024xi32, #tpu.memory_space<vmem>>[vector<16xi32>, vector<16xi32>], vector<16xi32>, vector<16xi1>
          %mul3A_264 = arith.constant 4 : i32
          %mul3A_265 = arith.muli %scan3A_222, %mul3A_264 : i32
          %add3A_266 = arith.constant 2 : i32
          %add3A_267 = arith.addi %mul3A_265, %add3A_266 : i32
          %mul3A_268 = arith.constant 16 : i32
          %mul3A_269 = arith.muli %add3A_267, %mul3A_268 : i32
          %add3A_270 = vector.broadcast %mul3A_269 : i32 to vector<16xi32>
          %add3A_271 = arith.addi %add3A_270, %iota3A : vector<16xi32>
          %mul3A_272 = arith.constant 16 : i32
          %mul3A_273 = arith.muli %add3A_267, %mul3A_272 : i32
          %multiple_of3A_274 = tpu.assume_multiple %mul3A_273, 16 : i32
          %get3A_275 = arith.index_cast %multiple_of3A_274 : i32 to index
          %get3A_276 = tpu.vector_load %arg4[%get3A_275] {strides = array<i32>} : memref<1024xi32, #tpu.memory_space<vmem>>, vector<16xi32>,
          %ge3A_277 = vector.broadcast %sub3A_212 : i32 to vector<16xi32>
          %ge3A_278 = arith.cmpi sge, %get3A_276, %ge3A_277 : vector<16xi32>
          %add3A_279 = arith.constant 40 : i32
          %add3A_280 = arith.addi %sub3A_212, %add3A_279 : i32
          %lt3A_281 = vector.broadcast %add3A_280 : i32 to vector<16xi32>
          %lt3A_282 = arith.cmpi slt, %get3A_276, %lt3A_281 : vector<16xi32>
          %and3A_283 = arith.andi %ge3A_278, %lt3A_282 : vector<16xi1>
          %sub3A_284 = vector.broadcast %sub3A_212 : i32 to vector<16xi32>
          %sub3A_285 = arith.subi %get3A_276, %sub3A_284 : vector<16xi32>
          tpu.vector_store_idx %arg6[%sub3A_285, %add3A_271], %broadcast_in_dim3A_3 masked %and3A_283 : memref<40x1024xi32, #tpu.memory_space<vmem>>[vector<16xi32>, vector<16xi32>], vector<16xi32>, vector<16xi1>
          %mul3A_286 = arith.constant 4 : i32
          %mul3A_287 = arith.muli %scan3A_222, %mul3A_286 : i32
          %add3A_288 = arith.constant 3 : i32
          %add3A_289 = arith.addi %mul3A_287, %add3A_288 : i32
          %mul3A_290 = arith.constant 16 : i32
          %mul3A_291 = arith.muli %add3A_289, %mul3A_290 : i32
          %add3A_292 = vector.broadcast %mul3A_291 : i32 to vector<16xi32>
          %add3A_293 = arith.addi %add3A_292, %iota3A : vector<16xi32>
          %mul3A_294 = arith.constant 16 : i32
          %mul3A_295 = arith.muli %add3A_289, %mul3A_294 : i32
          %multiple_of3A_296 = tpu.assume_multiple %mul3A_295, 16 : i32
          %get3A_297 = arith.index_cast %multiple_of3A_296 : i32 to index
          %get3A_298 = tpu.vector_load %arg4[%get3A_297] {strides = array<i32>} : memref<1024xi32, #tpu.memory_space<vmem>>, vector<16xi32>,
          %ge3A_299 = vector.broadcast %sub3A_212 : i32 to vector<16xi32>
          %ge3A_300 = arith.cmpi sge, %get3A_298, %ge3A_299 : vector<16xi32>
          %add3A_301 = arith.constant 40 : i32
          %add3A_302 = arith.addi %sub3A_212, %add3A_301 : i32
          %lt3A_303 = vector.broadcast %add3A_302 : i32 to vector<16xi32>
          %lt3A_304 = arith.cmpi slt, %get3A_298, %lt3A_303 : vector<16xi32>
          %and3A_305 = arith.andi %ge3A_300, %lt3A_304 : vector<16xi1>
          %sub3A_306 = vector.broadcast %sub3A_212 : i32 to vector<16xi32>
          %sub3A_307 = arith.subi %get3A_298, %sub3A_306 : vector<16xi32>
          tpu.vector_store_idx %arg6[%sub3A_307, %add3A_293], %broadcast_in_dim3A_3 masked %and3A_305 : memref<40x1024xi32, #tpu.memory_space<vmem>>[vector<16xi32>, vector<16xi32>], vector<16xi32>, vector<16xi1>
        }
        %scan3A_221 = arith.constant 16 : i32
      } else {
      }
      %jit3A_178 = arith.constant 1000 : i32
      %div3A_179 = arith.divsi %mul3A_172, %jit3A_178 : i32
      %sign3A_180 = arith.constant 0 : i32
      %sign3A_181 = arith.cmpi sgt, %mul3A_172, %sign3A_180 : i32
      %sign3A_182 = arith.extui %sign3A_181 : i1 to i32
      %sign3A_183 = arith.constant 0 : i32
      %sign3A_184 = arith.cmpi slt, %mul3A_172, %sign3A_183 : i32
      %sign3A_185 = arith.extui %sign3A_184 : i1 to i32
      %sign3A_186 = arith.subi %sign3A_182, %sign3A_185 : i32
      %sign3A_187 = arith.constant 0 : i32
      %sign3A_188 = arith.cmpi sgt, %jit3A_178, %sign3A_187 : i32
      %sign3A_189 = arith.extui %sign3A_188 : i1 to i32
      %sign3A_190 = arith.constant 0 : i32
      %sign3A_191 = arith.cmpi slt, %jit3A_178, %sign3A_190 : i32
      %sign3A_192 = arith.extui %sign3A_191 : i1 to i32
      %sign3A_193 = arith.subi %sign3A_189, %sign3A_192 : i32
      %ne3A_194 = arith.cmpi ne, %sign3A_186, %sign3A_193 : i32
      %rem3A_195 = arith.remsi %mul3A_172, %jit3A_178 : i32
      %ne3A_196 = arith.constant 0 : i32
      %ne3A_197 = arith.cmpi ne, %rem3A_195, %ne3A_196 : i32
      %and3A_198 = arith.andi %ne3A_194, %ne3A_197 : i1
      %sub3A_199 = arith.constant 1 : i32
      %sub3A_200 = arith.subi %div3A_179, %sub3A_199 : i32
      %select_n3A_201 = arith.select %and3A_198, %sub3A_200, %div3A_179 : i32
      "tpu.region"() ({
        %run_scoped3A = tpu.sem_alloc : memref<!tpu.dma_semaphore, #tpu.memory_space<semaphore_mem>>
        %dma_start3A_211 = arith.constant 0 : i32
        %dma_start3A_212 = tpu.memref_slice %arg2[%select_n3A_201, %dma_start3A_211] : memref<26x1024xi32, #tpu.memory_space<hbm>> -> memref<1x1024xi32, #tpu.memory_space<hbm>>
        %dma_start3A_213 = tpu.memref_squeeze %dma_start3A_212 : memref<1x1024xi32, #tpu.memory_space<hbm>> -> memref<1024xi32, #tpu.memory_space<hbm>>
        %dma_start3A_214 = arith.constant 0 : i32
        %dma_start3A_215 = tpu.memref_slice %arg2[%select_n3A_201, %dma_start3A_214] : memref<26x1024xi32, #tpu.memory_space<hbm>> -> memref<1x1024xi32, #tpu.memory_space<hbm>>
        %dma_start3A_216 = tpu.memref_squeeze %dma_start3A_215 : memref<1x1024xi32, #tpu.memory_space<hbm>> -> memref<1024xi32, #tpu.memory_space<hbm>>
        tpu.enqueue_dma source(%dma_start3A_216 : memref<1024xi32, #tpu.memory_space<hbm>>) target(%arg4 : memref<1024xi32, #tpu.memory_space<vmem>>) target_semaphore(%run_scoped3A : memref<!tpu.dma_semaphore, #tpu.memory_space<semaphore_mem>>)
        %dma_wait3A_217 = arith.constant 0 : i32
        %dma_wait3A_218 = tpu.memref_slice %arg2[%select_n3A_201, %dma_wait3A_217] : memref<26x1024xi32, #tpu.memory_space<hbm>> -> memref<1x1024xi32, #tpu.memory_space<hbm>>
        %dma_wait3A_219 = tpu.memref_squeeze %dma_wait3A_218 : memref<1x1024xi32, #tpu.memory_space<hbm>> -> memref<1024xi32, #tpu.memory_space<hbm>>
        %dma_wait3A_220 = arith.constant 0 : i32
        %dma_wait3A_221 = tpu.memref_slice %arg2[%select_n3A_201, %dma_wait3A_220] : memref<26x1024xi32, #tpu.memory_space<hbm>> -> memref<1x1024xi32, #tpu.memory_space<hbm>>
        %dma_wait3A_222 = tpu.memref_squeeze %dma_wait3A_221 : memref<1x1024xi32, #tpu.memory_space<hbm>> -> memref<1024xi32, #tpu.memory_space<hbm>>
        tpu.wait_dma2 semaphore(%run_scoped3A : memref<!tpu.dma_semaphore, #tpu.memory_space<semaphore_mem>>) src(%dma_wait3A_222 : memref<1024xi32, #tpu.memory_space<hbm>>) dst(%arg4 : memref<1024xi32, #tpu.memory_space<vmem>>)
        tpu.yield
      }) : () -> ()
      %scan3A_202 = arith.constant 0 : i32
      %scan3A_203 = arith.constant 16 : i32
      %scan3A_204 = arith.addi %scan3A_202, %scan3A_203 : i32
      %scan3A_205 = arith.constant 1 : i32
      scf.for %scan3A_211 = %scan3A_202 to %scan3A_204 step %scan3A_205  : i32 {
        %mul3A_212 = arith.constant 4 : i32
        %mul3A_213 = arith.muli %scan3A_211, %mul3A_212 : i32
        %add3A_214 = arith.constant 0 : i32
        %add3A_215 = arith.addi %mul3A_213, %add3A_214 : i32
        %mul3A_216 = arith.constant 16 : i32
        %mul3A_217 = arith.muli %add3A_215, %mul3A_216 : i32
        %add3A_218 = vector.broadcast %mul3A_217 : i32 to vector<16xi32>
        %add3A_219 = arith.addi %add3A_218, %iota3A : vector<16xi32>
        %mul3A_220 = arith.constant 16 : i32
        %mul3A_221 = arith.muli %add3A_215, %mul3A_220 : i32
        %multiple_of3A = tpu.assume_multiple %mul3A_221, 16 : i32
        %get3A = arith.index_cast %multiple_of3A : i32 to index
        %get3A_222 = tpu.vector_load %arg4[%get3A] {strides = array<i32>} : memref<1024xi32, #tpu.memory_space<vmem>>, vector<16xi32>,
        %ge3A = vector.broadcast %mul3A_172 : i32 to vector<16xi32>
        %ge3A_223 = arith.cmpi sge, %get3A_222, %ge3A : vector<16xi32>
        %add3A_224 = arith.constant 40 : i32
        %add3A_225 = arith.addi %mul3A_172, %add3A_224 : i32
        %lt3A_226 = vector.broadcast %add3A_225 : i32 to vector<16xi32>
        %lt3A_227 = arith.cmpi slt, %get3A_222, %lt3A_226 : vector<16xi32>
        %and3A_228 = arith.andi %ge3A_223, %lt3A_227 : vector<16xi1>
        %sub3A_229 = vector.broadcast %mul3A_172 : i32 to vector<16xi32>
        %sub3A_230 = arith.subi %get3A_222, %sub3A_229 : vector<16xi32>
        tpu.vector_store_idx %arg6[%sub3A_230, %add3A_219], %broadcast_in_dim3A_1 masked %and3A_228 : memref<40x1024xi32, #tpu.memory_space<vmem>>[vector<16xi32>, vector<16xi32>], vector<16xi32>, vector<16xi1>
        %mul3A_231 = arith.constant 4 : i32
        %mul3A_232 = arith.muli %scan3A_211, %mul3A_231 : i32
        %add3A_233 = arith.constant 1 : i32
        %add3A_234 = arith.addi %mul3A_232, %add3A_233 : i32
        %mul3A_235 = arith.constant 16 : i32
        %mul3A_236 = arith.muli %add3A_234, %mul3A_235 : i32
        %add3A_237 = vector.broadcast %mul3A_236 : i32 to vector<16xi32>
        %add3A_238 = arith.addi %add3A_237, %iota3A : vector<16xi32>
        %mul3A_239 = arith.constant 16 : i32
        %mul3A_240 = arith.muli %add3A_234, %mul3A_239 : i32
        %multiple_of3A_241 = tpu.assume_multiple %mul3A_240, 16 : i32
        %get3A_242 = arith.index_cast %multiple_of3A_241 : i32 to index
        %get3A_243 = tpu.vector_load %arg4[%get3A_242] {strides = array<i32>} : memref<1024xi32, #tpu.memory_space<vmem>>, vector<16xi32>,
        %ge3A_244 = vector.broadcast %mul3A_172 : i32 to vector<16xi32>
        %ge3A_245 = arith.cmpi sge, %get3A_243, %ge3A_244 : vector<16xi32>
        %add3A_246 = arith.constant 40 : i32
        %add3A_247 = arith.addi %mul3A_172, %add3A_246 : i32
        %lt3A_248 = vector.broadcast %add3A_247 : i32 to vector<16xi32>
        %lt3A_249 = arith.cmpi slt, %get3A_243, %lt3A_248 : vector<16xi32>
        %and3A_250 = arith.andi %ge3A_245, %lt3A_249 : vector<16xi1>
        %sub3A_251 = vector.broadcast %mul3A_172 : i32 to vector<16xi32>
        %sub3A_252 = arith.subi %get3A_243, %sub3A_251 : vector<16xi32>
        tpu.vector_store_idx %arg6[%sub3A_252, %add3A_238], %broadcast_in_dim3A_1 masked %and3A_250 : memref<40x1024xi32, #tpu.memory_space<vmem>>[vector<16xi32>, vector<16xi32>], vector<16xi32>, vector<16xi1>
        %mul3A_253 = arith.constant 4 : i32
        %mul3A_254 = arith.muli %scan3A_211, %mul3A_253 : i32
        %add3A_255 = arith.constant 2 : i32
        %add3A_256 = arith.addi %mul3A_254, %add3A_255 : i32
        %mul3A_257 = arith.constant 16 : i32
        %mul3A_258 = arith.muli %add3A_256, %mul3A_257 : i32
        %add3A_259 = vector.broadcast %mul3A_258 : i32 to vector<16xi32>
        %add3A_260 = arith.addi %add3A_259, %iota3A : vector<16xi32>
        %mul3A_261 = arith.constant 16 : i32
        %mul3A_262 = arith.muli %add3A_256, %mul3A_261 : i32
        %multiple_of3A_263 = tpu.assume_multiple %mul3A_262, 16 : i32
        %get3A_264 = arith.index_cast %multiple_of3A_263 : i32 to index
        %get3A_265 = tpu.vector_load %arg4[%get3A_264] {strides = array<i32>} : memref<1024xi32, #tpu.memory_space<vmem>>, vector<16xi32>,
        %ge3A_266 = vector.broadcast %mul3A_172 : i32 to vector<16xi32>
        %ge3A_267 = arith.cmpi sge, %get3A_265, %ge3A_266 : vector<16xi32>
        %add3A_268 = arith.constant 40 : i32
        %add3A_269 = arith.addi %mul3A_172, %add3A_268 : i32
        %lt3A_270 = vector.broadcast %add3A_269 : i32 to vector<16xi32>
        %lt3A_271 = arith.cmpi slt, %get3A_265, %lt3A_270 : vector<16xi32>
        %and3A_272 = arith.andi %ge3A_267, %lt3A_271 : vector<16xi1>
        %sub3A_273 = vector.broadcast %mul3A_172 : i32 to vector<16xi32>
        %sub3A_274 = arith.subi %get3A_265, %sub3A_273 : vector<16xi32>
        tpu.vector_store_idx %arg6[%sub3A_274, %add3A_260], %broadcast_in_dim3A_1 masked %and3A_272 : memref<40x1024xi32, #tpu.memory_space<vmem>>[vector<16xi32>, vector<16xi32>], vector<16xi32>, vector<16xi1>
        %mul3A_275 = arith.constant 4 : i32
        %mul3A_276 = arith.muli %scan3A_211, %mul3A_275 : i32
        %add3A_277 = arith.constant 3 : i32
        %add3A_278 = arith.addi %mul3A_276, %add3A_277 : i32
        %mul3A_279 = arith.constant 16 : i32
        %mul3A_280 = arith.muli %add3A_278, %mul3A_279 : i32
        %add3A_281 = vector.broadcast %mul3A_280 : i32 to vector<16xi32>
        %add3A_282 = arith.addi %add3A_281, %iota3A : vector<16xi32>
        %mul3A_283 = arith.constant 16 : i32
        %mul3A_284 = arith.muli %add3A_278, %mul3A_283 : i32
        %multiple_of3A_285 = tpu.assume_multiple %mul3A_284, 16 : i32
        %get3A_286 = arith.index_cast %multiple_of3A_285 : i32 to index
        %get3A_287 = tpu.vector_load %arg4[%get3A_286] {strides = array<i32>} : memref<1024xi32, #tpu.memory_space<vmem>>, vector<16xi32>,
        %ge3A_288 = vector.broadcast %mul3A_172 : i32 to vector<16xi32>
        %ge3A_289 = arith.cmpi sge, %get3A_287, %ge3A_288 : vector<16xi32>
        %add3A_290 = arith.constant 40 : i32
        %add3A_291 = arith.addi %mul3A_172, %add3A_290 : i32
        %lt3A_292 = vector.broadcast %add3A_291 : i32 to vector<16xi32>
        %lt3A_293 = arith.cmpi slt, %get3A_287, %lt3A_292 : vector<16xi32>
        %and3A_294 = arith.andi %ge3A_289, %lt3A_293 : vector<16xi1>
        %sub3A_295 = vector.broadcast %mul3A_172 : i32 to vector<16xi32>
        %sub3A_296 = arith.subi %get3A_287, %sub3A_295 : vector<16xi32>
        tpu.vector_store_idx %arg6[%sub3A_296, %add3A_282], %broadcast_in_dim3A_1 masked %and3A_294 : memref<40x1024xi32, #tpu.memory_space<vmem>>[vector<16xi32>, vector<16xi32>], vector<16xi32>, vector<16xi1>
      }
      %scan3A_206 = arith.constant 16 : i32
      %dma_start3A_207 = arith.constant 0 : i32
      %dma_start3A_208 = tpu.memref_slice %arg3[%mul3A_172, %dma_start3A_207] : memref<26000x1024xi32, #tpu.memory_space<hbm>> -> memref<40x1024xi32, #tpu.memory_space<hbm>>
      %dma_start3A_209 = arith.constant 0 : i32
      %dma_start3A_210 = tpu.memref_slice %arg3[%mul3A_172, %dma_start3A_209] : memref<26000x1024xi32, #tpu.memory_space<hbm>> -> memref<40x1024xi32, #tpu.memory_space<hbm>>
      tpu.enqueue_dma source(%arg6 : memref<40x1024xi32, #tpu.memory_space<vmem>>) target(%dma_start3A_210 : memref<40x1024xi32, #tpu.memory_space<hbm>>) target_semaphore(%arg8 : memref<!tpu.dma_semaphore, #tpu.memory_space<semaphore_mem>>)
    }
    %scan3A_45 = arith.constant 9 : i32
    %add3A_46 = arith.constant 608 : i32
    %add3A_47 = arith.addi %add3A, %add3A_46 : i32
    %mul3A_48 = arith.constant 40 : i32
    %mul3A_49 = arith.muli %add3A_47, %mul3A_48 : i32
    %sub3A_50 = arith.constant 2560 : i32
    %sub3A_51 = arith.subi %mul3A_49, %sub3A_50 : i32
    %dma_wait3A = arith.constant 0 : i32
    %dma_wait3A_52 = tpu.memref_slice %arg3[%sub3A_51, %dma_wait3A] : memref<26000x1024xi32, #tpu.memory_space<hbm>> -> memref<40x1024xi32, #tpu.memory_space<hbm>>
    %dma_wait3A_53 = arith.constant 0 : i32
    %dma_wait3A_54 = tpu.memref_slice %arg3[%sub3A_51, %dma_wait3A_53] : memref<26000x1024xi32, #tpu.memory_space<hbm>> -> memref<40x1024xi32, #tpu.memory_space<hbm>>
    tpu.wait_dma2 semaphore(%arg9 : memref<!tpu.dma_semaphore, #tpu.memory_space<semaphore_mem>>) src(%arg7 : memref<40x1024xi32, #tpu.memory_space<vmem>>) dst(%dma_wait3A_54 : memref<40x1024xi32, #tpu.memory_space<hbm>>)
    %scan3A_55 = arith.constant 0 : i32
    %scan3A_56 = arith.constant 16 : i32
    %scan3A_57 = arith.addi %scan3A_55, %scan3A_56 : i32
    %scan3A_58 = arith.constant 1 : i32
    scf.for %scan3A_117 = %scan3A_55 to %scan3A_57 step %scan3A_58  : i32 {
      %mul3A_118 = arith.constant 4 : i32
      %mul3A_119 = arith.muli %scan3A_117, %mul3A_118 : i32
      %add3A_120 = arith.constant 0 : i32
      %add3A_121 = arith.addi %mul3A_119, %add3A_120 : i32
      %mul3A_122 = arith.constant 16 : i32
      %mul3A_123 = arith.muli %add3A_121, %mul3A_122 : i32
      %add3A_124 = vector.broadcast %mul3A_123 : i32 to vector<16xi32>
      %add3A_125 = arith.addi %add3A_124, %iota3A : vector<16xi32>
      %mul3A_126 = arith.constant 16 : i32
      %mul3A_127 = arith.muli %add3A_121, %mul3A_126 : i32
      %multiple_of3A = tpu.assume_multiple %mul3A_127, 16 : i32
      %get3A = arith.index_cast %multiple_of3A : i32 to index
      %get3A_128 = tpu.vector_load %arg5[%get3A] {strides = array<i32>} : memref<1024xi32, #tpu.memory_space<vmem>>, vector<16xi32>,
      %ge3A = vector.broadcast %sub3A_51 : i32 to vector<16xi32>
      %ge3A_129 = arith.cmpi sge, %get3A_128, %ge3A : vector<16xi32>
      %add3A_130 = arith.constant 40 : i32
      %add3A_131 = arith.addi %sub3A_51, %add3A_130 : i32
      %lt3A_132 = vector.broadcast %add3A_131 : i32 to vector<16xi32>
      %lt3A_133 = arith.cmpi slt, %get3A_128, %lt3A_132 : vector<16xi32>
      %and3A_134 = arith.andi %ge3A_129, %lt3A_133 : vector<16xi1>
      %sub3A_135 = vector.broadcast %sub3A_51 : i32 to vector<16xi32>
      %sub3A_136 = arith.subi %get3A_128, %sub3A_135 : vector<16xi32>
      tpu.vector_store_idx %arg7[%sub3A_136, %add3A_125], %broadcast_in_dim3A_3 masked %and3A_134 : memref<40x1024xi32, #tpu.memory_space<vmem>>[vector<16xi32>, vector<16xi32>], vector<16xi32>, vector<16xi1>
      %mul3A_137 = arith.constant 4 : i32
      %mul3A_138 = arith.muli %scan3A_117, %mul3A_137 : i32
      %add3A_139 = arith.constant 1 : i32
      %add3A_140 = arith.addi %mul3A_138, %add3A_139 : i32
      %mul3A_141 = arith.constant 16 : i32
      %mul3A_142 = arith.muli %add3A_140, %mul3A_141 : i32
      %add3A_143 = vector.broadcast %mul3A_142 : i32 to vector<16xi32>
      %add3A_144 = arith.addi %add3A_143, %iota3A : vector<16xi32>
      %mul3A_145 = arith.constant 16 : i32
      %mul3A_146 = arith.muli %add3A_140, %mul3A_145 : i32
      %multiple_of3A_147 = tpu.assume_multiple %mul3A_146, 16 : i32
      %get3A_148 = arith.index_cast %multiple_of3A_147 : i32 to index
      %get3A_149 = tpu.vector_load %arg5[%get3A_148] {strides = array<i32>} : memref<1024xi32, #tpu.memory_space<vmem>>, vector<16xi32>,
      %ge3A_150 = vector.broadcast %sub3A_51 : i32 to vector<16xi32>
      %ge3A_151 = arith.cmpi sge, %get3A_149, %ge3A_150 : vector<16xi32>
      %add3A_152 = arith.constant 40 : i32
      %add3A_153 = arith.addi %sub3A_51, %add3A_152 : i32
      %lt3A_154 = vector.broadcast %add3A_153 : i32 to vector<16xi32>
      %lt3A_155 = arith.cmpi slt, %get3A_149, %lt3A_154 : vector<16xi32>
      %and3A_156 = arith.andi %ge3A_151, %lt3A_155 : vector<16xi1>
      %sub3A_157 = vector.broadcast %sub3A_51 : i32 to vector<16xi32>
      %sub3A_158 = arith.subi %get3A_149, %sub3A_157 : vector<16xi32>
      tpu.vector_store_idx %arg7[%sub3A_158, %add3A_144], %broadcast_in_dim3A_3 masked %and3A_156 : memref<40x1024xi32, #tpu.memory_space<vmem>>[vector<16xi32>, vector<16xi32>], vector<16xi32>, vector<16xi1>
      %mul3A_159 = arith.constant 4 : i32
      %mul3A_160 = arith.muli %scan3A_117, %mul3A_159 : i32
      %add3A_161 = arith.constant 2 : i32
      %add3A_162 = arith.addi %mul3A_160, %add3A_161 : i32
      %mul3A_163 = arith.constant 16 : i32
      %mul3A_164 = arith.muli %add3A_162, %mul3A_163 : i32
      %add3A_165 = vector.broadcast %mul3A_164 : i32 to vector<16xi32>
      %add3A_166 = arith.addi %add3A_165, %iota3A : vector<16xi32>
      %mul3A_167 = arith.constant 16 : i32
      %mul3A_168 = arith.muli %add3A_162, %mul3A_167 : i32
      %multiple_of3A_169 = tpu.assume_multiple %mul3A_168, 16 : i32
      %get3A_170 = arith.index_cast %multiple_of3A_169 : i32 to index
      %get3A_171 = tpu.vector_load %arg5[%get3A_170] {strides = array<i32>} : memref<1024xi32, #tpu.memory_space<vmem>>, vector<16xi32>,
      %ge3A_172 = vector.broadcast %sub3A_51 : i32 to vector<16xi32>
      %ge3A_173 = arith.cmpi sge, %get3A_171, %ge3A_172 : vector<16xi32>
      %add3A_174 = arith.constant 40 : i32
      %add3A_175 = arith.addi %sub3A_51, %add3A_174 : i32
      %lt3A_176 = vector.broadcast %add3A_175 : i32 to vector<16xi32>
      %lt3A_177 = arith.cmpi slt, %get3A_171, %lt3A_176 : vector<16xi32>
      %and3A_178 = arith.andi %ge3A_173, %lt3A_177 : vector<16xi1>
      %sub3A_179 = vector.broadcast %sub3A_51 : i32 to vector<16xi32>
      %sub3A_180 = arith.subi %get3A_171, %sub3A_179 : vector<16xi32>
      tpu.vector_store_idx %arg7[%sub3A_180, %add3A_166], %broadcast_in_dim3A_3 masked %and3A_178 : memref<40x1024xi32, #tpu.memory_space<vmem>>[vector<16xi32>, vector<16xi32>], vector<16xi32>, vector<16xi1>
      %mul3A_181 = arith.constant 4 : i32
      %mul3A_182 = arith.muli %scan3A_117, %mul3A_181 : i32
      %add3A_183 = arith.constant 3 : i32
      %add3A_184 = arith.addi %mul3A_182, %add3A_183 : i32
      %mul3A_185 = arith.constant 16 : i32
      %mul3A_186 = arith.muli %add3A_184, %mul3A_185 : i32
      %add3A_187 = vector.broadcast %mul3A_186 : i32 to vector<16xi32>
      %add3A_188 = arith.addi %add3A_187, %iota3A : vector<16xi32>
      %mul3A_189 = arith.constant 16 : i32
      %mul3A_190 = arith.muli %add3A_184, %mul3A_189 : i32
      %multiple_of3A_191 = tpu.assume_multiple %mul3A_190, 16 : i32
      %get3A_192 = arith.index_cast %multiple_of3A_191 : i32 to index
      %get3A_193 = tpu.vector_load %arg5[%get3A_192] {strides = array<i32>} : memref<1024xi32, #tpu.memory_space<vmem>>, vector<16xi32>,
      %ge3A_194 = vector.broadcast %sub3A_51 : i32 to vector<16xi32>
      %ge3A_195 = arith.cmpi sge, %get3A_193, %ge3A_194 : vector<16xi32>
      %add3A_196 = arith.constant 40 : i32
      %add3A_197 = arith.addi %sub3A_51, %add3A_196 : i32
      %lt3A_198 = vector.broadcast %add3A_197 : i32 to vector<16xi32>
      %lt3A_199 = arith.cmpi slt, %get3A_193, %lt3A_198 : vector<16xi32>
      %and3A_200 = arith.andi %ge3A_195, %lt3A_199 : vector<16xi1>
      %sub3A_201 = vector.broadcast %sub3A_51 : i32 to vector<16xi32>
      %sub3A_202 = arith.subi %get3A_193, %sub3A_201 : vector<16xi32>
      tpu.vector_store_idx %arg7[%sub3A_202, %add3A_188], %broadcast_in_dim3A_3 masked %and3A_200 : memref<40x1024xi32, #tpu.memory_space<vmem>>[vector<16xi32>, vector<16xi32>], vector<16xi32>, vector<16xi1>
    }
    %scan3A_59 = arith.constant 16 : i32
    %jit3A_60 = arith.constant 1000 : i32
    %div3A_61 = arith.divsi %mul3A_49, %jit3A_60 : i32
    %sign3A_62 = arith.constant 0 : i32
    %sign3A_63 = arith.cmpi sgt, %mul3A_49, %sign3A_62 : i32
    %sign3A_64 = arith.extui %sign3A_63 : i1 to i32
    %sign3A_65 = arith.constant 0 : i32
    %sign3A_66 = arith.cmpi slt, %mul3A_49, %sign3A_65 : i32
    %sign3A_67 = arith.extui %sign3A_66 : i1 to i32
    %sign3A_68 = arith.subi %sign3A_64, %sign3A_67 : i32
    %sign3A_69 = arith.constant 0 : i32
    %sign3A_70 = arith.cmpi sgt, %jit3A_60, %sign3A_69 : i32
    %sign3A_71 = arith.extui %sign3A_70 : i1 to i32
    %sign3A_72 = arith.constant 0 : i32
    %sign3A_73 = arith.cmpi slt, %jit3A_60, %sign3A_72 : i32
    %sign3A_74 = arith.extui %sign3A_73 : i1 to i32
    %sign3A_75 = arith.subi %sign3A_71, %sign3A_74 : i32
    %ne3A_76 = arith.cmpi ne, %sign3A_68, %sign3A_75 : i32
    %rem3A_77 = arith.remsi %mul3A_49, %jit3A_60 : i32
    %ne3A_78 = arith.constant 0 : i32
    %ne3A_79 = arith.cmpi ne, %rem3A_77, %ne3A_78 : i32
    %and3A_80 = arith.andi %ne3A_76, %ne3A_79 : i1
    %sub3A_81 = arith.constant 1 : i32
    %sub3A_82 = arith.subi %div3A_61, %sub3A_81 : i32
    %select_n3A_83 = arith.select %and3A_80, %sub3A_82, %div3A_61 : i32
    "tpu.region"() ({
      %run_scoped3A = tpu.sem_alloc : memref<!tpu.dma_semaphore, #tpu.memory_space<semaphore_mem>>
      %dma_start3A_117 = arith.constant 0 : i32
      %dma_start3A_118 = tpu.memref_slice %arg2[%select_n3A_83, %dma_start3A_117] : memref<26x1024xi32, #tpu.memory_space<hbm>> -> memref<1x1024xi32, #tpu.memory_space<hbm>>
      %dma_start3A_119 = tpu.memref_squeeze %dma_start3A_118 : memref<1x1024xi32, #tpu.memory_space<hbm>> -> memref<1024xi32, #tpu.memory_space<hbm>>
      %dma_start3A_120 = arith.constant 0 : i32
      %dma_start3A_121 = tpu.memref_slice %arg2[%select_n3A_83, %dma_start3A_120] : memref<26x1024xi32, #tpu.memory_space<hbm>> -> memref<1x1024xi32, #tpu.memory_space<hbm>>
      %dma_start3A_122 = tpu.memref_squeeze %dma_start3A_121 : memref<1x1024xi32, #tpu.memory_space<hbm>> -> memref<1024xi32, #tpu.memory_space<hbm>>
      tpu.enqueue_dma source(%dma_start3A_122 : memref<1024xi32, #tpu.memory_space<hbm>>) target(%arg5 : memref<1024xi32, #tpu.memory_space<vmem>>) target_semaphore(%run_scoped3A : memref<!tpu.dma_semaphore, #tpu.memory_space<semaphore_mem>>)
      %dma_wait3A_123 = arith.constant 0 : i32
      %dma_wait3A_124 = tpu.memref_slice %arg2[%select_n3A_83, %dma_wait3A_123] : memref<26x1024xi32, #tpu.memory_space<hbm>> -> memref<1x1024xi32, #tpu.memory_space<hbm>>
      %dma_wait3A_125 = tpu.memref_squeeze %dma_wait3A_124 : memref<1x1024xi32, #tpu.memory_space<hbm>> -> memref<1024xi32, #tpu.memory_space<hbm>>
      %dma_wait3A_126 = arith.constant 0 : i32
      %dma_wait3A_127 = tpu.memref_slice %arg2[%select_n3A_83, %dma_wait3A_126] : memref<26x1024xi32, #tpu.memory_space<hbm>> -> memref<1x1024xi32, #tpu.memory_space<hbm>>
      %dma_wait3A_128 = tpu.memref_squeeze %dma_wait3A_127 : memref<1x1024xi32, #tpu.memory_space<hbm>> -> memref<1024xi32, #tpu.memory_space<hbm>>
      tpu.wait_dma2 semaphore(%run_scoped3A : memref<!tpu.dma_semaphore, #tpu.memory_space<semaphore_mem>>) src(%dma_wait3A_128 : memref<1024xi32, #tpu.memory_space<hbm>>) dst(%arg5 : memref<1024xi32, #tpu.memory_space<vmem>>)
      tpu.yield
    }) : () -> ()
    %scan3A_84 = arith.constant 0 : i32
    %scan3A_85 = arith.constant 16 : i32
    %scan3A_86 = arith.addi %scan3A_84, %scan3A_85 : i32
    %scan3A_87 = arith.constant 1 : i32
    scf.for %scan3A_117 = %scan3A_84 to %scan3A_86 step %scan3A_87  : i32 {
      %mul3A_118 = arith.constant 4 : i32
      %mul3A_119 = arith.muli %scan3A_117, %mul3A_118 : i32
      %add3A_120 = arith.constant 0 : i32
      %add3A_121 = arith.addi %mul3A_119, %add3A_120 : i32
      %mul3A_122 = arith.constant 16 : i32
      %mul3A_123 = arith.muli %add3A_121, %mul3A_122 : i32
      %add3A_124 = vector.broadcast %mul3A_123 : i32 to vector<16xi32>
      %add3A_125 = arith.addi %add3A_124, %iota3A : vector<16xi32>
      %mul3A_126 = arith.constant 16 : i32
      %mul3A_127 = arith.muli %add3A_121, %mul3A_126 : i32
      %multiple_of3A = tpu.assume_multiple %mul3A_127, 16 : i32
      %get3A = arith.index_cast %multiple_of3A : i32 to index
      %get3A_128 = tpu.vector_load %arg5[%get3A] {strides = array<i32>} : memref<1024xi32, #tpu.memory_space<vmem>>, vector<16xi32>,
      %ge3A = vector.broadcast %mul3A_49 : i32 to vector<16xi32>
      %ge3A_129 = arith.cmpi sge, %get3A_128, %ge3A : vector<16xi32>
      %add3A_130 = arith.constant 40 : i32
      %add3A_131 = arith.addi %mul3A_49, %add3A_130 : i32
      %lt3A_132 = vector.broadcast %add3A_131 : i32 to vector<16xi32>
      %lt3A_133 = arith.cmpi slt, %get3A_128, %lt3A_132 : vector<16xi32>
      %and3A_134 = arith.andi %ge3A_129, %lt3A_133 : vector<16xi1>
      %sub3A_135 = vector.broadcast %mul3A_49 : i32 to vector<16xi32>
      %sub3A_136 = arith.subi %get3A_128, %sub3A_135 : vector<16xi32>
      tpu.vector_store_idx %arg7[%sub3A_136, %add3A_125], %broadcast_in_dim3A_1 masked %and3A_134 : memref<40x1024xi32, #tpu.memory_space<vmem>>[vector<16xi32>, vector<16xi32>], vector<16xi32>, vector<16xi1>
      %mul3A_137 = arith.constant 4 : i32
      %mul3A_138 = arith.muli %scan3A_117, %mul3A_137 : i32
      %add3A_139 = arith.constant 1 : i32
      %add3A_140 = arith.addi %mul3A_138, %add3A_139 : i32
      %mul3A_141 = arith.constant 16 : i32
      %mul3A_142 = arith.muli %add3A_140, %mul3A_141 : i32
      %add3A_143 = vector.broadcast %mul3A_142 : i32 to vector<16xi32>
      %add3A_144 = arith.addi %add3A_143, %iota3A : vector<16xi32>
      %mul3A_145 = arith.constant 16 : i32
      %mul3A_146 = arith.muli %add3A_140, %mul3A_145 : i32
      %multiple_of3A_147 = tpu.assume_multiple %mul3A_146, 16 : i32
      %get3A_148 = arith.index_cast %multiple_of3A_147 : i32 to index
      %get3A_149 = tpu.vector_load %arg5[%get3A_148] {strides = array<i32>} : memref<1024xi32, #tpu.memory_space<vmem>>, vector<16xi32>,
      %ge3A_150 = vector.broadcast %mul3A_49 : i32 to vector<16xi32>
      %ge3A_151 = arith.cmpi sge, %get3A_149, %ge3A_150 : vector<16xi32>
      %add3A_152 = arith.constant 40 : i32
      %add3A_153 = arith.addi %mul3A_49, %add3A_152 : i32
      %lt3A_154 = vector.broadcast %add3A_153 : i32 to vector<16xi32>
      %lt3A_155 = arith.cmpi slt, %get3A_149, %lt3A_154 : vector<16xi32>
      %and3A_156 = arith.andi %ge3A_151, %lt3A_155 : vector<16xi1>
      %sub3A_157 = vector.broadcast %mul3A_49 : i32 to vector<16xi32>
      %sub3A_158 = arith.subi %get3A_149, %sub3A_157 : vector<16xi32>
      tpu.vector_store_idx %arg7[%sub3A_158, %add3A_144], %broadcast_in_dim3A_1 masked %and3A_156 : memref<40x1024xi32, #tpu.memory_space<vmem>>[vector<16xi32>, vector<16xi32>], vector<16xi32>, vector<16xi1>
      %mul3A_159 = arith.constant 4 : i32
      %mul3A_160 = arith.muli %scan3A_117, %mul3A_159 : i32
      %add3A_161 = arith.constant 2 : i32
      %add3A_162 = arith.addi %mul3A_160, %add3A_161 : i32
      %mul3A_163 = arith.constant 16 : i32
      %mul3A_164 = arith.muli %add3A_162, %mul3A_163 : i32
      %add3A_165 = vector.broadcast %mul3A_164 : i32 to vector<16xi32>
      %add3A_166 = arith.addi %add3A_165, %iota3A : vector<16xi32>
      %mul3A_167 = arith.constant 16 : i32
      %mul3A_168 = arith.muli %add3A_162, %mul3A_167 : i32
      %multiple_of3A_169 = tpu.assume_multiple %mul3A_168, 16 : i32
      %get3A_170 = arith.index_cast %multiple_of3A_169 : i32 to index
      %get3A_171 = tpu.vector_load %arg5[%get3A_170] {strides = array<i32>} : memref<1024xi32, #tpu.memory_space<vmem>>, vector<16xi32>,
      %ge3A_172 = vector.broadcast %mul3A_49 : i32 to vector<16xi32>
      %ge3A_173 = arith.cmpi sge, %get3A_171, %ge3A_172 : vector<16xi32>
      %add3A_174 = arith.constant 40 : i32
      %add3A_175 = arith.addi %mul3A_49, %add3A_174 : i32
      %lt3A_176 = vector.broadcast %add3A_175 : i32 to vector<16xi32>
      %lt3A_177 = arith.cmpi slt, %get3A_171, %lt3A_176 : vector<16xi32>
      %and3A_178 = arith.andi %ge3A_173, %lt3A_177 : vector<16xi1>
      %sub3A_179 = vector.broadcast %mul3A_49 : i32 to vector<16xi32>
      %sub3A_180 = arith.subi %get3A_171, %sub3A_179 : vector<16xi32>
      tpu.vector_store_idx %arg7[%sub3A_180, %add3A_166], %broadcast_in_dim3A_1 masked %and3A_178 : memref<40x1024xi32, #tpu.memory_space<vmem>>[vector<16xi32>, vector<16xi32>], vector<16xi32>, vector<16xi1>
      %mul3A_181 = arith.constant 4 : i32
      %mul3A_182 = arith.muli %scan3A_117, %mul3A_181 : i32
      %add3A_183 = arith.constant 3 : i32
      %add3A_184 = arith.addi %mul3A_182, %add3A_183 : i32
      %mul3A_185 = arith.constant 16 : i32
      %mul3A_186 = arith.muli %add3A_184, %mul3A_185 : i32
      %add3A_187 = vector.broadcast %mul3A_186 : i32 to vector<16xi32>
      %add3A_188 = arith.addi %add3A_187, %iota3A : vector<16xi32>
      %mul3A_189 = arith.constant 16 : i32
      %mul3A_190 = arith.muli %add3A_184, %mul3A_189 : i32
      %multiple_of3A_191 = tpu.assume_multiple %mul3A_190, 16 : i32
      %get3A_192 = arith.index_cast %multiple_of3A_191 : i32 to index
      %get3A_193 = tpu.vector_load %arg5[%get3A_192] {strides = array<i32>} : memref<1024xi32, #tpu.memory_space<vmem>>, vector<16xi32>,
      %ge3A_194 = vector.broadcast %mul3A_49 : i32 to vector<16xi32>
      %ge3A_195 = arith.cmpi sge, %get3A_193, %ge3A_194 : vector<16xi32>
      %add3A_196 = arith.constant 40 : i32
      %add3A_197 = arith.addi %mul3A_49, %add3A_196 : i32
      %lt3A_198 = vector.broadcast %add3A_197 : i32 to vector<16xi32>
      %lt3A_199 = arith.cmpi slt, %get3A_193, %lt3A_198 : vector<16xi32>
      %and3A_200 = arith.andi %ge3A_195, %lt3A_199 : vector<16xi1>
      %sub3A_201 = vector.broadcast %mul3A_49 : i32 to vector<16xi32>
      %sub3A_202 = arith.subi %get3A_193, %sub3A_201 : vector<16xi32>
      tpu.vector_store_idx %arg7[%sub3A_202, %add3A_188], %broadcast_in_dim3A_1 masked %and3A_200 : memref<40x1024xi32, #tpu.memory_space<vmem>>[vector<16xi32>, vector<16xi32>], vector<16xi32>, vector<16xi1>
    }
    %scan3A_88 = arith.constant 16 : i32
    %dma_start3A_89 = arith.constant 0 : i32
    %dma_start3A_90 = tpu.memref_slice %arg3[%mul3A_49, %dma_start3A_89] : memref<26000x1024xi32, #tpu.memory_space<hbm>> -> memref<40x1024xi32, #tpu.memory_space<hbm>>
    %dma_start3A_91 = arith.constant 0 : i32
    %dma_start3A_92 = tpu.memref_slice %arg3[%mul3A_49, %dma_start3A_91] : memref<26000x1024xi32, #tpu.memory_space<hbm>> -> memref<40x1024xi32, #tpu.memory_space<hbm>>
    tpu.enqueue_dma source(%arg7 : memref<40x1024xi32, #tpu.memory_space<vmem>>) target(%dma_start3A_92 : memref<40x1024xi32, #tpu.memory_space<hbm>>) target_semaphore(%arg9 : memref<!tpu.dma_semaphore, #tpu.memory_space<semaphore_mem>>)
    %lt3A = arith.constant 10 : i32
    %lt3A_93 = arith.cmpi slt, %add3A, %lt3A : i32
    %convert_element_type3A = arith.extui %lt3A_93 : i1 to i32
    %cond3A = arith.constant 0 : i32
    %cond3A_94 = arith.cmpi ne, %convert_element_type3A, %cond3A : i32
    scf.if %cond3A_94 {
      %add3A_117 = arith.constant 640 : i32
      %add3A_118 = arith.addi %add3A, %add3A_117 : i32
      %mul3A_119 = arith.constant 40 : i32
      %mul3A_120 = arith.muli %add3A_118, %mul3A_119 : i32
      %sub3A_121 = arith.constant 2560 : i32
      %sub3A_122 = arith.subi %mul3A_120, %sub3A_121 : i32
      %dma_wait3A_123 = arith.constant 0 : i32
      %dma_wait3A_124 = tpu.memref_slice %arg3[%sub3A_122, %dma_wait3A_123] : memref<26000x1024xi32, #tpu.memory_space<hbm>> -> memref<40x1024xi32, #tpu.memory_space<hbm>>
      %dma_wait3A_125 = arith.constant 0 : i32
      %dma_wait3A_126 = tpu.memref_slice %arg3[%sub3A_122, %dma_wait3A_125] : memref<26000x1024xi32, #tpu.memory_space<hbm>> -> memref<40x1024xi32, #tpu.memory_space<hbm>>
      tpu.wait_dma2 semaphore(%arg8 : memref<!tpu.dma_semaphore, #tpu.memory_space<semaphore_mem>>) src(%arg6 : memref<40x1024xi32, #tpu.memory_space<vmem>>) dst(%dma_wait3A_126 : memref<40x1024xi32, #tpu.memory_space<hbm>>)
      %scan3A_127 = arith.constant 0 : i32
      %scan3A_128 = arith.constant 16 : i32
      %scan3A_129 = arith.addi %scan3A_127, %scan3A_128 : i32
      %scan3A_130 = arith.constant 1 : i32
      scf.for %scan3A_165 = %scan3A_127 to %scan3A_129 step %scan3A_130  : i32 {
        %mul3A_166 = arith.constant 4 : i32
        %mul3A_167 = arith.muli %scan3A_165, %mul3A_166 : i32
        %add3A_168 = arith.constant 0 : i32
        %add3A_169 = arith.addi %mul3A_167, %add3A_168 : i32
        %mul3A_170 = arith.constant 16 : i32
        %mul3A_171 = arith.muli %add3A_169, %mul3A_170 : i32
        %add3A_172 = vector.broadcast %mul3A_171 : i32 to vector<16xi32>
        %add3A_173 = arith.addi %add3A_172, %iota3A : vector<16xi32>
        %mul3A_174 = arith.constant 16 : i32
        %mul3A_175 = arith.muli %add3A_169, %mul3A_174 : i32
        %multiple_of3A = tpu.assume_multiple %mul3A_175, 16 : i32
        %get3A = arith.index_cast %multiple_of3A : i32 to index
        %get3A_176 = tpu.vector_load %arg4[%get3A] {strides = array<i32>} : memref<1024xi32, #tpu.memory_space<vmem>>, vector<16xi32>,
        %ge3A = vector.broadcast %sub3A_122 : i32 to vector<16xi32>
        %ge3A_177 = arith.cmpi sge, %get3A_176, %ge3A : vector<16xi32>
        %add3A_178 = arith.constant 40 : i32
        %add3A_179 = arith.addi %sub3A_122, %add3A_178 : i32
        %lt3A_180 = vector.broadcast %add3A_179 : i32 to vector<16xi32>
        %lt3A_181 = arith.cmpi slt, %get3A_176, %lt3A_180 : vector<16xi32>
        %and3A_182 = arith.andi %ge3A_177, %lt3A_181 : vector<16xi1>
        %sub3A_183 = vector.broadcast %sub3A_122 : i32 to vector<16xi32>
        %sub3A_184 = arith.subi %get3A_176, %sub3A_183 : vector<16xi32>
        tpu.vector_store_idx %arg6[%sub3A_184, %add3A_173], %broadcast_in_dim3A_3 masked %and3A_182 : memref<40x1024xi32, #tpu.memory_space<vmem>>[vector<16xi32>, vector<16xi32>], vector<16xi32>, vector<16xi1>
        %mul3A_185 = arith.constant 4 : i32
        %mul3A_186 = arith.muli %scan3A_165, %mul3A_185 : i32
        %add3A_187 = arith.constant 1 : i32
        %add3A_188 = arith.addi %mul3A_186, %add3A_187 : i32
        %mul3A_189 = arith.constant 16 : i32
        %mul3A_190 = arith.muli %add3A_188, %mul3A_189 : i32
        %add3A_191 = vector.broadcast %mul3A_190 : i32 to vector<16xi32>
        %add3A_192 = arith.addi %add3A_191, %iota3A : vector<16xi32>
        %mul3A_193 = arith.constant 16 : i32
        %mul3A_194 = arith.muli %add3A_188, %mul3A_193 : i32
        %multiple_of3A_195 = tpu.assume_multiple %mul3A_194, 16 : i32
        %get3A_196 = arith.index_cast %multiple_of3A_195 : i32 to index
        %get3A_197 = tpu.vector_load %arg4[%get3A_196] {strides = array<i32>} : memref<1024xi32, #tpu.memory_space<vmem>>, vector<16xi32>,
        %ge3A_198 = vector.broadcast %sub3A_122 : i32 to vector<16xi32>
        %ge3A_199 = arith.cmpi sge, %get3A_197, %ge3A_198 : vector<16xi32>
        %add3A_200 = arith.constant 40 : i32
        %add3A_201 = arith.addi %sub3A_122, %add3A_200 : i32
        %lt3A_202 = vector.broadcast %add3A_201 : i32 to vector<16xi32>
        %lt3A_203 = arith.cmpi slt, %get3A_197, %lt3A_202 : vector<16xi32>
        %and3A_204 = arith.andi %ge3A_199, %lt3A_203 : vector<16xi1>
        %sub3A_205 = vector.broadcast %sub3A_122 : i32 to vector<16xi32>
        %sub3A_206 = arith.subi %get3A_197, %sub3A_205 : vector<16xi32>
        tpu.vector_store_idx %arg6[%sub3A_206, %add3A_192], %broadcast_in_dim3A_3 masked %and3A_204 : memref<40x1024xi32, #tpu.memory_space<vmem>>[vector<16xi32>, vector<16xi32>], vector<16xi32>, vector<16xi1>
        %mul3A_207 = arith.constant 4 : i32
        %mul3A_208 = arith.muli %scan3A_165, %mul3A_207 : i32
        %add3A_209 = arith.constant 2 : i32
        %add3A_210 = arith.addi %mul3A_208, %add3A_209 : i32
        %mul3A_211 = arith.constant 16 : i32
        %mul3A_212 = arith.muli %add3A_210, %mul3A_211 : i32
        %add3A_213 = vector.broadcast %mul3A_212 : i32 to vector<16xi32>
        %add3A_214 = arith.addi %add3A_213, %iota3A : vector<16xi32>
        %mul3A_215 = arith.constant 16 : i32
        %mul3A_216 = arith.muli %add3A_210, %mul3A_215 : i32
        %multiple_of3A_217 = tpu.assume_multiple %mul3A_216, 16 : i32
        %get3A_218 = arith.index_cast %multiple_of3A_217 : i32 to index
        %get3A_219 = tpu.vector_load %arg4[%get3A_218] {strides = array<i32>} : memref<1024xi32, #tpu.memory_space<vmem>>, vector<16xi32>,
        %ge3A_220 = vector.broadcast %sub3A_122 : i32 to vector<16xi32>
        %ge3A_221 = arith.cmpi sge, %get3A_219, %ge3A_220 : vector<16xi32>
        %add3A_222 = arith.constant 40 : i32
        %add3A_223 = arith.addi %sub3A_122, %add3A_222 : i32
        %lt3A_224 = vector.broadcast %add3A_223 : i32 to vector<16xi32>
        %lt3A_225 = arith.cmpi slt, %get3A_219, %lt3A_224 : vector<16xi32>
        %and3A_226 = arith.andi %ge3A_221, %lt3A_225 : vector<16xi1>
        %sub3A_227 = vector.broadcast %sub3A_122 : i32 to vector<16xi32>
        %sub3A_228 = arith.subi %get3A_219, %sub3A_227 : vector<16xi32>
        tpu.vector_store_idx %arg6[%sub3A_228, %add3A_214], %broadcast_in_dim3A_3 masked %and3A_226 : memref<40x1024xi32, #tpu.memory_space<vmem>>[vector<16xi32>, vector<16xi32>], vector<16xi32>, vector<16xi1>
        %mul3A_229 = arith.constant 4 : i32
        %mul3A_230 = arith.muli %scan3A_165, %mul3A_229 : i32
        %add3A_231 = arith.constant 3 : i32
        %add3A_232 = arith.addi %mul3A_230, %add3A_231 : i32
        %mul3A_233 = arith.constant 16 : i32
        %mul3A_234 = arith.muli %add3A_232, %mul3A_233 : i32
        %add3A_235 = vector.broadcast %mul3A_234 : i32 to vector<16xi32>
        %add3A_236 = arith.addi %add3A_235, %iota3A : vector<16xi32>
        %mul3A_237 = arith.constant 16 : i32
        %mul3A_238 = arith.muli %add3A_232, %mul3A_237 : i32
        %multiple_of3A_239 = tpu.assume_multiple %mul3A_238, 16 : i32
        %get3A_240 = arith.index_cast %multiple_of3A_239 : i32 to index
        %get3A_241 = tpu.vector_load %arg4[%get3A_240] {strides = array<i32>} : memref<1024xi32, #tpu.memory_space<vmem>>, vector<16xi32>,
        %ge3A_242 = vector.broadcast %sub3A_122 : i32 to vector<16xi32>
        %ge3A_243 = arith.cmpi sge, %get3A_241, %ge3A_242 : vector<16xi32>
        %add3A_244 = arith.constant 40 : i32
        %add3A_245 = arith.addi %sub3A_122, %add3A_244 : i32
        %lt3A_246 = vector.broadcast %add3A_245 : i32 to vector<16xi32>
        %lt3A_247 = arith.cmpi slt, %get3A_241, %lt3A_246 : vector<16xi32>
        %and3A_248 = arith.andi %ge3A_243, %lt3A_247 : vector<16xi1>
        %sub3A_249 = vector.broadcast %sub3A_122 : i32 to vector<16xi32>
        %sub3A_250 = arith.subi %get3A_241, %sub3A_249 : vector<16xi32>
        tpu.vector_store_idx %arg6[%sub3A_250, %add3A_236], %broadcast_in_dim3A_3 masked %and3A_248 : memref<40x1024xi32, #tpu.memory_space<vmem>>[vector<16xi32>, vector<16xi32>], vector<16xi32>, vector<16xi1>
      }
      %scan3A_131 = arith.constant 16 : i32
      %jit3A_132 = arith.constant 1000 : i32
      %div3A_133 = arith.divsi %mul3A_120, %jit3A_132 : i32
      %sign3A_134 = arith.constant 0 : i32
      %sign3A_135 = arith.cmpi sgt, %mul3A_120, %sign3A_134 : i32
      %sign3A_136 = arith.extui %sign3A_135 : i1 to i32
      %sign3A_137 = arith.constant 0 : i32
      %sign3A_138 = arith.cmpi slt, %mul3A_120, %sign3A_137 : i32
      %sign3A_139 = arith.extui %sign3A_138 : i1 to i32
      %sign3A_140 = arith.subi %sign3A_136, %sign3A_139 : i32
      %sign3A_141 = arith.constant 0 : i32
      %sign3A_142 = arith.cmpi sgt, %jit3A_132, %sign3A_141 : i32
      %sign3A_143 = arith.extui %sign3A_142 : i1 to i32
      %sign3A_144 = arith.constant 0 : i32
      %sign3A_145 = arith.cmpi slt, %jit3A_132, %sign3A_144 : i32
      %sign3A_146 = arith.extui %sign3A_145 : i1 to i32
      %sign3A_147 = arith.subi %sign3A_143, %sign3A_146 : i32
      %ne3A_148 = arith.cmpi ne, %sign3A_140, %sign3A_147 : i32
      %rem3A_149 = arith.remsi %mul3A_120, %jit3A_132 : i32
      %ne3A_150 = arith.constant 0 : i32
      %ne3A_151 = arith.cmpi ne, %rem3A_149, %ne3A_150 : i32
      %and3A_152 = arith.andi %ne3A_148, %ne3A_151 : i1
      %sub3A_153 = arith.constant 1 : i32
      %sub3A_154 = arith.subi %div3A_133, %sub3A_153 : i32
      %select_n3A_155 = arith.select %and3A_152, %sub3A_154, %div3A_133 : i32
      "tpu.region"() ({
        %run_scoped3A = tpu.sem_alloc : memref<!tpu.dma_semaphore, #tpu.memory_space<semaphore_mem>>
        %dma_start3A_165 = arith.constant 0 : i32
        %dma_start3A_166 = tpu.memref_slice %arg2[%select_n3A_155, %dma_start3A_165] : memref<26x1024xi32, #tpu.memory_space<hbm>> -> memref<1x1024xi32, #tpu.memory_space<hbm>>
        %dma_start3A_167 = tpu.memref_squeeze %dma_start3A_166 : memref<1x1024xi32, #tpu.memory_space<hbm>> -> memref<1024xi32, #tpu.memory_space<hbm>>
        %dma_start3A_168 = arith.constant 0 : i32
        %dma_start3A_169 = tpu.memref_slice %arg2[%select_n3A_155, %dma_start3A_168] : memref<26x1024xi32, #tpu.memory_space<hbm>> -> memref<1x1024xi32, #tpu.memory_space<hbm>>
        %dma_start3A_170 = tpu.memref_squeeze %dma_start3A_169 : memref<1x1024xi32, #tpu.memory_space<hbm>> -> memref<1024xi32, #tpu.memory_space<hbm>>
        tpu.enqueue_dma source(%dma_start3A_170 : memref<1024xi32, #tpu.memory_space<hbm>>) target(%arg4 : memref<1024xi32, #tpu.memory_space<vmem>>) target_semaphore(%run_scoped3A : memref<!tpu.dma_semaphore, #tpu.memory_space<semaphore_mem>>)
        %dma_wait3A_171 = arith.constant 0 : i32
        %dma_wait3A_172 = tpu.memref_slice %arg2[%select_n3A_155, %dma_wait3A_171] : memref<26x1024xi32, #tpu.memory_space<hbm>> -> memref<1x1024xi32, #tpu.memory_space<hbm>>
        %dma_wait3A_173 = tpu.memref_squeeze %dma_wait3A_172 : memref<1x1024xi32, #tpu.memory_space<hbm>> -> memref<1024xi32, #tpu.memory_space<hbm>>
        %dma_wait3A_174 = arith.constant 0 : i32
        %dma_wait3A_175 = tpu.memref_slice %arg2[%select_n3A_155, %dma_wait3A_174] : memref<26x1024xi32, #tpu.memory_space<hbm>> -> memref<1x1024xi32, #tpu.memory_space<hbm>>
        %dma_wait3A_176 = tpu.memref_squeeze %dma_wait3A_175 : memref<1x1024xi32, #tpu.memory_space<hbm>> -> memref<1024xi32, #tpu.memory_space<hbm>>
        tpu.wait_dma2 semaphore(%run_scoped3A : memref<!tpu.dma_semaphore, #tpu.memory_space<semaphore_mem>>) src(%dma_wait3A_176 : memref<1024xi32, #tpu.memory_space<hbm>>) dst(%arg4 : memref<1024xi32, #tpu.memory_space<vmem>>)
        tpu.yield
      }) : () -> ()
      %scan3A_156 = arith.constant 0 : i32
      %scan3A_157 = arith.constant 16 : i32
      %scan3A_158 = arith.addi %scan3A_156, %scan3A_157 : i32
      %scan3A_159 = arith.constant 1 : i32
      scf.for %scan3A_165 = %scan3A_156 to %scan3A_158 step %scan3A_159  : i32 {
        %mul3A_166 = arith.constant 4 : i32
        %mul3A_167 = arith.muli %scan3A_165, %mul3A_166 : i32
        %add3A_168 = arith.constant 0 : i32
        %add3A_169 = arith.addi %mul3A_167, %add3A_168 : i32
        %mul3A_170 = arith.constant 16 : i32
        %mul3A_171 = arith.muli %add3A_169, %mul3A_170 : i32
        %add3A_172 = vector.broadcast %mul3A_171 : i32 to vector<16xi32>
        %add3A_173 = arith.addi %add3A_172, %iota3A : vector<16xi32>
        %mul3A_174 = arith.constant 16 : i32
        %mul3A_175 = arith.muli %add3A_169, %mul3A_174 : i32
        %multiple_of3A = tpu.assume_multiple %mul3A_175, 16 : i32
        %get3A = arith.index_cast %multiple_of3A : i32 to index
        %get3A_176 = tpu.vector_load %arg4[%get3A] {strides = array<i32>} : memref<1024xi32, #tpu.memory_space<vmem>>, vector<16xi32>,
        %ge3A = vector.broadcast %mul3A_120 : i32 to vector<16xi32>
        %ge3A_177 = arith.cmpi sge, %get3A_176, %ge3A : vector<16xi32>
        %add3A_178 = arith.constant 40 : i32
        %add3A_179 = arith.addi %mul3A_120, %add3A_178 : i32
        %lt3A_180 = vector.broadcast %add3A_179 : i32 to vector<16xi32>
        %lt3A_181 = arith.cmpi slt, %get3A_176, %lt3A_180 : vector<16xi32>
        %and3A_182 = arith.andi %ge3A_177, %lt3A_181 : vector<16xi1>
        %sub3A_183 = vector.broadcast %mul3A_120 : i32 to vector<16xi32>
        %sub3A_184 = arith.subi %get3A_176, %sub3A_183 : vector<16xi32>
        tpu.vector_store_idx %arg6[%sub3A_184, %add3A_173], %broadcast_in_dim3A_1 masked %and3A_182 : memref<40x1024xi32, #tpu.memory_space<vmem>>[vector<16xi32>, vector<16xi32>], vector<16xi32>, vector<16xi1>
        %mul3A_185 = arith.constant 4 : i32
        %mul3A_186 = arith.muli %scan3A_165, %mul3A_185 : i32
        %add3A_187 = arith.constant 1 : i32
        %add3A_188 = arith.addi %mul3A_186, %add3A_187 : i32
        %mul3A_189 = arith.constant 16 : i32
        %mul3A_190 = arith.muli %add3A_188, %mul3A_189 : i32
        %add3A_191 = vector.broadcast %mul3A_190 : i32 to vector<16xi32>
        %add3A_192 = arith.addi %add3A_191, %iota3A : vector<16xi32>
        %mul3A_193 = arith.constant 16 : i32
        %mul3A_194 = arith.muli %add3A_188, %mul3A_193 : i32
        %multiple_of3A_195 = tpu.assume_multiple %mul3A_194, 16 : i32
        %get3A_196 = arith.index_cast %multiple_of3A_195 : i32 to index
        %get3A_197 = tpu.vector_load %arg4[%get3A_196] {strides = array<i32>} : memref<1024xi32, #tpu.memory_space<vmem>>, vector<16xi32>,
        %ge3A_198 = vector.broadcast %mul3A_120 : i32 to vector<16xi32>
        %ge3A_199 = arith.cmpi sge, %get3A_197, %ge3A_198 : vector<16xi32>
        %add3A_200 = arith.constant 40 : i32
        %add3A_201 = arith.addi %mul3A_120, %add3A_200 : i32
        %lt3A_202 = vector.broadcast %add3A_201 : i32 to vector<16xi32>
        %lt3A_203 = arith.cmpi slt, %get3A_197, %lt3A_202 : vector<16xi32>
        %and3A_204 = arith.andi %ge3A_199, %lt3A_203 : vector<16xi1>
        %sub3A_205 = vector.broadcast %mul3A_120 : i32 to vector<16xi32>
        %sub3A_206 = arith.subi %get3A_197, %sub3A_205 : vector<16xi32>
        tpu.vector_store_idx %arg6[%sub3A_206, %add3A_192], %broadcast_in_dim3A_1 masked %and3A_204 : memref<40x1024xi32, #tpu.memory_space<vmem>>[vector<16xi32>, vector<16xi32>], vector<16xi32>, vector<16xi1>
        %mul3A_207 = arith.constant 4 : i32
        %mul3A_208 = arith.muli %scan3A_165, %mul3A_207 : i32
        %add3A_209 = arith.constant 2 : i32
        %add3A_210 = arith.addi %mul3A_208, %add3A_209 : i32
        %mul3A_211 = arith.constant 16 : i32
        %mul3A_212 = arith.muli %add3A_210, %mul3A_211 : i32
        %add3A_213 = vector.broadcast %mul3A_212 : i32 to vector<16xi32>
        %add3A_214 = arith.addi %add3A_213, %iota3A : vector<16xi32>
        %mul3A_215 = arith.constant 16 : i32
        %mul3A_216 = arith.muli %add3A_210, %mul3A_215 : i32
        %multiple_of3A_217 = tpu.assume_multiple %mul3A_216, 16 : i32
        %get3A_218 = arith.index_cast %multiple_of3A_217 : i32 to index
        %get3A_219 = tpu.vector_load %arg4[%get3A_218] {strides = array<i32>} : memref<1024xi32, #tpu.memory_space<vmem>>, vector<16xi32>,
        %ge3A_220 = vector.broadcast %mul3A_120 : i32 to vector<16xi32>
        %ge3A_221 = arith.cmpi sge, %get3A_219, %ge3A_220 : vector<16xi32>
        %add3A_222 = arith.constant 40 : i32
        %add3A_223 = arith.addi %mul3A_120, %add3A_222 : i32
        %lt3A_224 = vector.broadcast %add3A_223 : i32 to vector<16xi32>
        %lt3A_225 = arith.cmpi slt, %get3A_219, %lt3A_224 : vector<16xi32>
        %and3A_226 = arith.andi %ge3A_221, %lt3A_225 : vector<16xi1>
        %sub3A_227 = vector.broadcast %mul3A_120 : i32 to vector<16xi32>
        %sub3A_228 = arith.subi %get3A_219, %sub3A_227 : vector<16xi32>
        tpu.vector_store_idx %arg6[%sub3A_228, %add3A_214], %broadcast_in_dim3A_1 masked %and3A_226 : memref<40x1024xi32, #tpu.memory_space<vmem>>[vector<16xi32>, vector<16xi32>], vector<16xi32>, vector<16xi1>
        %mul3A_229 = arith.constant 4 : i32
        %mul3A_230 = arith.muli %scan3A_165, %mul3A_229 : i32
        %add3A_231 = arith.constant 3 : i32
        %add3A_232 = arith.addi %mul3A_230, %add3A_231 : i32
        %mul3A_233 = arith.constant 16 : i32
        %mul3A_234 = arith.muli %add3A_232, %mul3A_233 : i32
        %add3A_235 = vector.broadcast %mul3A_234 : i32 to vector<16xi32>
        %add3A_236 = arith.addi %add3A_235, %iota3A : vector<16xi32>
        %mul3A_237 = arith.constant 16 : i32
        %mul3A_238 = arith.muli %add3A_232, %mul3A_237 : i32
        %multiple_of3A_239 = tpu.assume_multiple %mul3A_238, 16 : i32
        %get3A_240 = arith.index_cast %multiple_of3A_239 : i32 to index
        %get3A_241 = tpu.vector_load %arg4[%get3A_240] {strides = array<i32>} : memref<1024xi32, #tpu.memory_space<vmem>>, vector<16xi32>,
        %ge3A_242 = vector.broadcast %mul3A_120 : i32 to vector<16xi32>
        %ge3A_243 = arith.cmpi sge, %get3A_241, %ge3A_242 : vector<16xi32>
        %add3A_244 = arith.constant 40 : i32
        %add3A_245 = arith.addi %mul3A_120, %add3A_244 : i32
        %lt3A_246 = vector.broadcast %add3A_245 : i32 to vector<16xi32>
        %lt3A_247 = arith.cmpi slt, %get3A_241, %lt3A_246 : vector<16xi32>
        %and3A_248 = arith.andi %ge3A_243, %lt3A_247 : vector<16xi1>
        %sub3A_249 = vector.broadcast %mul3A_120 : i32 to vector<16xi32>
        %sub3A_250 = arith.subi %get3A_241, %sub3A_249 : vector<16xi32>
        tpu.vector_store_idx %arg6[%sub3A_250, %add3A_236], %broadcast_in_dim3A_1 masked %and3A_248 : memref<40x1024xi32, #tpu.memory_space<vmem>>[vector<16xi32>, vector<16xi32>], vector<16xi32>, vector<16xi1>
      }
      %scan3A_160 = arith.constant 16 : i32
      %dma_start3A_161 = arith.constant 0 : i32
      %dma_start3A_162 = tpu.memref_slice %arg3[%mul3A_120, %dma_start3A_161] : memref<26000x1024xi32, #tpu.memory_space<hbm>> -> memref<40x1024xi32, #tpu.memory_space<hbm>>
      %dma_start3A_163 = arith.constant 0 : i32
      %dma_start3A_164 = tpu.memref_slice %arg3[%mul3A_120, %dma_start3A_163] : memref<26000x1024xi32, #tpu.memory_space<hbm>> -> memref<40x1024xi32, #tpu.memory_space<hbm>>
      tpu.enqueue_dma source(%arg6 : memref<40x1024xi32, #tpu.memory_space<vmem>>) target(%dma_start3A_164 : memref<40x1024xi32, #tpu.memory_space<hbm>>) target_semaphore(%arg8 : memref<!tpu.dma_semaphore, #tpu.memory_space<semaphore_mem>>)
    } else {
    }
    %lt3A_95 = arith.constant 10 : i32
    %lt3A_96 = arith.cmpi slt, %add3A, %lt3A_95 : i32
    %jit3A_97 = arith.constant 20 : i32
    %jit3A_98 = arith.constant 18 : i32
    %select_n3A_99 = arith.select %lt3A_96, %jit3A_97, %jit3A_98 : i32
    %mul3A_100 = arith.constant 32 : i32
    %mul3A_101 = arith.muli %select_n3A_99, %mul3A_100 : i32
    %add3A_102 = arith.addi %add3A, %mul3A_101 : i32
    %mul3A_103 = arith.constant 40 : i32
    %mul3A_104 = arith.muli %add3A_102, %mul3A_103 : i32
    %dma_wait3A_105 = arith.constant 0 : i32
    %dma_wait3A_106 = tpu.memref_slice %arg3[%mul3A_104, %dma_wait3A_105] : memref<26000x1024xi32, #tpu.memory_space<hbm>> -> memref<40x1024xi32, #tpu.memory_space<hbm>>
    %dma_wait3A_107 = arith.constant 0 : i32
    %dma_wait3A_108 = tpu.memref_slice %arg3[%mul3A_104, %dma_wait3A_107] : memref<26000x1024xi32, #tpu.memory_space<hbm>> -> memref<40x1024xi32, #tpu.memory_space<hbm>>
    tpu.wait_dma2 semaphore(%arg8 : memref<!tpu.dma_semaphore, #tpu.memory_space<semaphore_mem>>) src(%arg6 : memref<40x1024xi32, #tpu.memory_space<vmem>>) dst(%dma_wait3A_108 : memref<40x1024xi32, #tpu.memory_space<hbm>>)
    %add3A_109 = arith.constant 608 : i32
    %add3A_110 = arith.addi %add3A, %add3A_109 : i32
    %mul3A_111 = arith.constant 40 : i32
    %mul3A_112 = arith.muli %add3A_110, %mul3A_111 : i32
    %dma_wait3A_113 = arith.constant 0 : i32
    %dma_wait3A_114 = tpu.memref_slice %arg3[%mul3A_112, %dma_wait3A_113] : memref<26000x1024xi32, #tpu.memory_space<hbm>> -> memref<40x1024xi32, #tpu.memory_space<hbm>>
    %dma_wait3A_115 = arith.constant 0 : i32
    %dma_wait3A_116 = tpu.memref_slice %arg3[%mul3A_112, %dma_wait3A_115] : memref<26000x1024xi32, #tpu.memory_space<hbm>> -> memref<40x1024xi32, #tpu.memory_space<hbm>>
    tpu.wait_dma2 semaphore(%arg9 : memref<!tpu.dma_semaphore, #tpu.memory_space<semaphore_mem>>) src(%arg7 : memref<40x1024xi32, #tpu.memory_space<vmem>>) dst(%dma_wait3A_116 : memref<40x1024xi32, #tpu.memory_space<hbm>>)
    return
  }
}

</mosaic_0001>

<sc_bundles>
// kernel: kernel.3.cloned.1.call-start
scs
__scs_entry_jumppad:
0x0: {  	(pc) =	sbr.rel $0x88, $3  }
0x1: {  	(tag) =	ssettag $0x0;
	lr =	simm.s32 $0x1  }
0x2: {  	[smem:$0x3FA0] =	sst lr;
	_ =	strace $0xD0000000  }
0x3: {  	_ = 	snop  }
0x4: {  	_ = 	snop  }
0x5: {  	_ = 	snop  }
0x6: {  	_ = 	snop  }
0x7: {  	_ = 	snop  }
__scs_overlays_trampoline_lowered:
0x8: {  	[smem:$0x3FAF] =	sst s0  }
0x9: {  	[smem:$0x3FB0] =	sst s1  }
0xa: {  	[smem:$0x3FB1] =	sst s2  }
0xb: {  	[smem:$0x3FB2] =	sst s3  }
0xc: {  	[smem:$0x3FB3] =	sst s4  }
0xd: {  	[smem:$0x3FB4] =	sst s5  }
0xe: {  	[smem:$0x3FB5] =	sst s6  }
0xf: {  	[smem:$0x3FB6] =	sst s7  }
0x10: {  	[smem:$0x3FB7] =	sst s8  }
0x11: {  	[smem:$0x3FB8] =	sst s9;
	s0 =	simm.s32 @!p0 $0x0  }
0x12: {  	s1 =	sld [smem:$0x3F9E];
	s0 =	simm.s32 @p0 $0x1  }
0x13: {  	[smem:$0x3FB9] =	sst s0;
	s0 =	simm.s32 @!p1 $0x0  }
0x14: {  	s2 =	sld [smem:$0x3F9D];
	s0 =	simm.s32 @p1 $0x1  }
0x15: {  	[smem:$0x3FBA] =	sst s0;
	s0 =	simm.s32 @!p2 $0x0  }
0x16: {  	s3 =	sld [smem:$0x3FDB];
	s0 =	simm.s32 @p2 $0x1  }
0x17: {  	s4 =	simm.s32 $0x1BF5;
	[smem:$0x3FBC] =	sst s0  }
0x18: {  	s0 =	sld [smem:$0x3F9F];
	_ =	swait.ge [sflag:s4], $0x0  }
0x19: {  	s7 =	sld [smem:$0x3FA0]  }
0x1a: {  	s8 =	sadd.s32 $0xFFFFE003, lr  }
0x1b: {  	s9 =	sadd.s32 $0xFFFFFEF7, lr;
	s5 =	simm.s32 $0xFFFFFFFF;
	p2 =	slt.u32 s8, $0xFFFFF086  }
0x1c: {  	p1 =	slt.u32 s9, $0xF7A;
	s5 =	simm.s32 @!p2 $0x0  }
0x1d: {  	s5 =	simm.s32 @p1 $0x1;
	p0 =	seq.s32 s7, s2  }
0x1e: {  	s7 =	smul.u32 @!p0 $0xF7A, s2;
	p2 =	seq.s32 @!p0 s5, $0x0  }
0x1f: {  	s9 =	smul.u32 $0xF7A, s1;
	s8 =	simm.s32 @!p0 $0x1BF5;
	p2 =	por !p2, p0  }
0x20: {  	[sflag:s8] =	ssyncset.s32 @!p0 $0xFFFFF086;
	s6 =	sadd.s32 @!p0 s3, s7;
	s7 =	simm.s32 @!p0 $0x108  }
0x21: {  	s3 =	sadd.s32 s3, s9;
	s6 =	sadd.s32 @!p0 $0x88, s6;
	s7 =	simm.s32 @p2 $0x1082  }
0x22: {  	[simem:s7], [sflag:s8] =	dma.local @!p0 [hbm:s6], $0xF7A  }
0x23: {  	s9 =	sor.u32 $0xD0000000, s2;
	s6 =	simm.s32 $0x108;
	_ =	swait.ge @!p0 [sflag:s8], $0x0  }
0x24: {  	s3 =	sadd.s32 $0x88, s3;
	s6 =	simm.s32 @!p1 $0x1082;
	[sflag:s4] =	ssyncset.s32 $0xFFFFF086  }
0x25: {  	[simem:s6], [sflag:s4] =	dma.local [hbm:s3], $0xF7A  }
0x26: {  	[smem:$0x3FA0] =	sst s1;
	(tag) =	ssettag s2;
	_ =	strace s9  }
0x27: {  	s1 =	sld [smem:$0x3FB0]  }
0x28: {  	s2 =	sld [smem:$0x3FB1]  }
0x29: {  	s4 =	sld [smem:$0x3FB3]  }
0x2a: {  	p0 =	seq.s32 s5, $0x0;
	s5 =	sld [smem:$0x3FB4]  }
0x2b: {  	s6 =	sld [smem:$0x3FB5]  }
0x2c: {  	s7 =	sld [smem:$0x3FB6]  }
0x2d: {  	s3 =	simm.s32 $0x108;
	s8 =	sld [smem:$0x3FB7]  }
0x2e: {  	s3 =	simm.s32 @!p0 $0x1082;
	s9 =	sld [smem:$0x3FB8]  }
0x2f: {  	lr =	sadd.s32 s0, s3;
	s0 =	sld [smem:$0x3FAF]  }
0x30: {  	s3 =	sld [smem:$0x3FB2]  }
0x31: {  	[smem:$0x3FBB] =	sst s10  }
0x32: {  	s10 =	sld [smem:$0x3FB9];
	_ =	sdelay $0x3  }
0x33: {  	p0 =	seq.s32 s10, $0x1;
	s10 =	sld [smem:$0x3FBB];
	_ =	sdelay $0x3  }
0x34: {  	[smem:$0x3FBB] =	sst s10  }
0x35: {  	s10 =	sld [smem:$0x3FBA];
	_ =	sdelay $0x3  }
0x36: {  	p1 =	seq.s32 s10, $0x1;
	s10 =	sld [smem:$0x3FBB];
	_ =	sdelay $0x3  }
0x37: {  	[smem:$0x3FBB] =	sst s10  }
0x38: {  	s10 =	sld [smem:$0x3FBC]  }
0x39: {  	_ = 	snop;
	(pc) =	sbr.ind lr, $3  }
0x3a: {  	_ = 	snop  }
0x3b: {  	_ = 	snop  }
0x3c: {  	p2 =	seq.s32 s10, $0x1;
	s10 =	sld [smem:$0x3FBB]  }
0x3d: {  	_ =	shalt  }
0x3e: {  	_ =	shalt  }
0x3f: {  	_ =	shalt  }
0x40: {  	_ =	shalt  }
0x41: {  	_ =	shalt  }
0x42: {  	_ =	shalt  }
0x43: {  	_ =	shalt  }
0x44: {  	_ =	shalt  }
0x45: {  	_ =	shalt  }
0x46: {  	_ =	shalt  }
0x47: {  	_ =	shalt  }
0x48: {  	_ =	shalt  }
0x49: {  	_ =	shalt  }
0x4a: {  	_ =	shalt  }
0x4b: {  	_ =	shalt  }
0x4c: {  	_ =	shalt  }
0x4d: {  	_ =	shalt  }
0x4e: {  	_ =	shalt  }
0x4f: {  	_ =	shalt  }
0x50: {  	_ =	shalt  }
0x51: {  	_ =	shalt  }
0x52: {  	_ =	shalt  }
0x53: {  	_ =	shalt  }
0x54: {  	_ =	shalt  }
0x55: {  	_ =	shalt  }
0x56: {  	_ =	shalt  }
0x57: {  	_ =	shalt  }
0x58: {  	_ =	shalt  }
0x59: {  	_ =	shalt  }
0x5a: {  	_ =	shalt  }
0x5b: {  	_ =	shalt  }
0x5c: {  	_ =	shalt  }
0x5d: {  	_ =	shalt  }
0x5e: {  	_ =	shalt  }
0x5f: {  	_ =	shalt  }
0x60: {  	_ =	shalt  }
0x61: {  	_ =	shalt  }
0x62: {  	_ =	shalt  }
0x63: {  	_ =	shalt  }
0x64: {  	_ =	shalt  }
0x65: {  	_ =	shalt  }
0x66: {  	_ =	shalt  }
0x67: {  	_ =	shalt  }
0x68: {  	_ =	shalt  }
0x69: {  	_ =	shalt  }
0x6a: {  	_ =	shalt  }
0x6b: {  	_ =	shalt  }
0x6c: {  	_ =	shalt  }
0x6d: {  	_ =	shalt  }
0x6e: {  	_ =	shalt  }
0x6f: {  	_ =	shalt  }
0x70: {  	_ =	shalt  }
0x71: {  	_ =	shalt  }
0x72: {  	_ =	shalt  }
0x73: {  	_ =	shalt  }
0x74: {  	_ =	shalt  }
0x75: {  	_ =	shalt  }
0x76: {  	_ =	shalt  }
0x77: {  	_ =	shalt  }
0x78: {  	_ =	shalt  }
0x79: {  	_ =	shalt  }
0x7a: {  	_ =	shalt  }
0x7b: {  	_ =	shalt  }
0x7c: {  	_ =	shalt  }
0x7d: {  	_ =	shalt  }
0x7e: {  	_ =	shalt  }
0x7f: {  	_ =	shalt  }
0x80: {  	_ =	shalt  }
0x81: {  	_ =	shalt  }
0x82: {  	_ =	shalt  }
0x83: {  	_ =	shalt  }
0x84: {  	_ =	shalt  }
0x85: {  	_ =	shalt  }
0x86: {  	_ =	shalt  }
0x87: {  	_ =	shalt  }
.Lfunc_end0:
.L_simem_size_0:
called_computation_lowered:
.L_overlay_start_0:
0x88: {  	s2 =	sld [smem:$0x3FD9]  }
0x89: {  	s3 =	sld [smem:$0x3FFE];
	_ =	sdelay $0x1  }
0x8a: {  	s1 =	srdreg.scid  }
0x8b: {  	s0 =	sand.u32 $0x1, s1  }
0x8c: {  	s17 =	sshll.u32 s0, $0xA;
	s2 =	sadd.s32 s3, s2  }
0x8d: {  	s2 =	sadd.s32 s2, s17  }
0x8e: {  	[smem:$0x3FC7] =	sst s2  }
0x8f: {  	_ = 	snop  }
0x90: {  	s2 =	sld [smem:$0x3FD0];
	(tm) =	ssettm $0x1  }
0x91: {  	s18 =	sld [smem:$0x3FFB];
	_ =	sdelay $0x3  }
0x92: {  	_ =	strace s18  }
0x93: {  	s3 =	sld [smem:$0x3FFC];
	_ =	sdelay $0x3  }
0x94: {  	_ =	strace s3  }
0x95: {  	s3 =	sld [smem:$0x3FFD];
	_ =	sdelay $0x3  }
0x96: {  	_ =	strace s3  }
0x97: {  	_ =	strace $0x8FFFFFFF  }
0x98: {  	s19 =	sld [smem:$0x3FDB];
	_ =	sdelay $0x1  }
0x99: {  	s4 =	simm.s32 $_scs_section_size  }
0x9a: {  	s5 =	simm.s32 $_size__tile_overlayer_lowered;
	s6 =	simm.s32 $_tile_overlayer_lowered  }
0x9b: {  	s22 =	simm.s32 $0x1BFF;
	s21 =	sshll.u32 s6, $0x1;
	s3 =	sadd.s32 s4, s19  }
0x9c: {  	s7 =	simm.s32 $0x0;
	s20 =	sshll.u32 s5, $0x1;
	s5 =	sadd.s32 s21, s3  }
0x9d: {  	[timem:s7], [sflag:s22] =	dma.local [hbm:s5], s20  }
0x9e: {  	_ =	swait.ge [sflag:s22], s20  }
0x9f: {  	s4 =	ssub.s32 $0x0, s20;
	[sflag:s22] =	ssyncset.done $0x0  }
0xa0: {  	[sflag:s22] =	ssyncadd.s32 s4;
	_ =	sdelay $0x1  }
0xa1: {  	s23 =	simm.s32 $0x1B8B  }
0xa2: {  	_ =	swait.ge [sflag:s23], $0x1  }
0xa3: {  	[sflag:s23] =	ssyncset.done $0x0  }
0xa4: {  	s25 =	simm.s32 $0x1B8E;
	s24 =	sld [smem:$0x3FFE];
	[sflag:s23] =	ssyncadd.s32 $0xFFFFFFFF  }
0xa5: {  	s26 =	simm.s32 $execute0_lowered;
	[smem:$0x3FD2] =	sst s25  }
0xa6: {  	s5 =	sshll.u32 s26, $0x1;
	_ =	strace $0x80000046;
	[dreg:$0x1] =	wrdreg $0xFFFFFFFF  }
0xa7: {  	s28 =	simm.s32 $_size_execute0_lowered;
	s3 =	sadd.s32 s3, s5;
	[dreg:$0x0] =	wrdreg $0x0  }
0xa8: {  	s5 =	sshll.u32 s28, $0x1;
	[dreg:$0x2] =	wrdreg s3  }
0xa9: {  	[dreg:$0x3] =	wrdreg s5  }
0xaa: {  	[dreg:$0x4] =	wrdreg $0xC0  }
0xab: {  	_ =	task [dreg:s7], $0x5FFFF  }
0xac: {  	[dreg:$0x1] =	wrdreg $0xFFFFFFFF  }
0xad: {  	[dreg:$0x0] =	wrdreg $0x60  }
0xae: {  	[dreg:$0x2] =	wrdreg s24  }
0xaf: {  	[dreg:$0x3] =	wrdreg s2  }
0xb0: {  	[dreg:$0x4] =	wrdreg $0x9  }
0xb1: {  	_ =	task.clear_ibuf [dreg:s7], $0x5FFFF;
	_ =	strace $0x90000046  }
0xb2: {  	s29 =	simm.s32 $0x9;
	_ =	strace $0x80000048  }
0xb3: {  	_ =	swait.ge [sflag:s29], $0x1  }
0xb4: {  	[sflag:s29] =	ssyncadd.s32 $0xFFFFFFFF  }
0xb5: {  	_ =	strace $0x90000048  }
0xb6: {  	_ =	sfence  }
0xb7: {  	s30 =	sld [smem:$0x0];
	_ =	sdelay $0x2  }
0xb8: {  	s31 =	sshll.u32 s1, $0xD;
	s1 =	sshrl.u32 s1, $0x2  }
0xb9: {  	s3 =	sand.u32 $0x4000, s31;
	s1 =	sadd.s32 s1, s30  }
0xba: {  	s0 =	sor.u32 s3, s0;
	s1 =	sshll.u32 s1, $0x11  }
0xbb: {  	s0 =	sor.u32 s1, s0  }
0xbc: {  	s0 =	sadd.s32 $0x8F2B, s0  }
0xbd: {  	[sflag:s0] =	ssyncadd.remote.s32 $0x1  }
0xbe: {  	_ =	sfence.sel $0xFFFF  }
0xbf: {  	[dreg:$0x0] =	wrdreg $0xFFFFFFFF;
	(pc) =	sbr.abs _section_cstart, $3  }
0xc0: {  	[dreg:$0x1] =	wrdreg $0xFFFFFFFF  }
0xc1: {  	_ =	task.clear_ibuf [dreg:s7], $0x2FFFF;
	_ =	strace $0x9FFFFFFF  }
0xc2: {  	(tm) =	ssettm $0x7FFFFFFF  }
0xc3: {  	_ =	shalt  }
tec
execute0_lowered:
.L_overlay_start_1:
0x0: {  	(tag) =	ssettag $0x1  }
0x1: {  	s10 =	rddreg [dreg:$0x0]  }
0x2: {  	s1 =	srdreg.scid;
	s0 =	stileid.u32  }
0x3: {  	s2 =	rddreg [dreg:$0x1];
	s3 =	simm.s32 $0x0;
	s6 =	simm.s32 $0x10  }
0x4: {  	s5 =	sand.u32 $0x1, s1;
	s4 =	sshll.u32 s0, $0x1;
	s1 =	rddreg [dreg:$0x2]  }
0x5: {  	[smem:$0x7FF] =	sst s3;
	s13 =	sor.u32 s5, s4;
	s4 =	sadd.s32 $0x400, s10  }
0x6: {  	s5 =	ssub.s32 $0x2, s5;
	_ =	strace $0x80000047;
	s10 =	sadd.s32 $0x1010, s10  }
0x7: {  	s11 =	smul.u32 $0x28, s13;
	p0 =	sgt.u32 s13, $0x18;
	s8 =	sshrl.u32 s5, $0x1  }
0x8: {  	s7 =	smul.u32 $0x1400, s13;
	s6 =	simm.s32 @!p0 $0x0;
	s12 =	ssub.s32 s5, s8  }
0x9: {  	p0 =	sgt.u32 s0, $0x4;
	s14 =	sadd.s32 $0x5F00, s11;
	s5 =	sadd.s32 s4, s6  }
0xa: {  	s15 =	sadd.s32 $0x28, s11;
	s6 =	sadd.s32 s2, s7;
	s7 =	sor.u32 $0x40, s13  }
0xb: {  	s16 =	sadd.s32 $0x5500, s11;
	s17 =	sadd.s32 $0x5528, s11;
	s18 =	sadd.s32 $0x5F28, s11  }
0xc: {  	s19 =	sor.u32 $0x6400, s11;
	s20 =	sadd.s32 $0x5A00, s11;
	s21 =	sadd.s32 $0x5A28, s11  }
0xd: {  	s22 =	sadd.s32 $0x6428, s11;
	s12 =	smax.u32 s12, $0x1;
	s13 =	sor.u32 $0x20, s13  }
0xe: {  	s9 =	smul.u32 $0x8313, s14;
	s30 =	sshll.u32 s14, $0x7;
	s31 =	sshll.u32 s19, $0x7  }
.Ltmp0:
0xf: {  	v1 =	vmov s15;
	v4 =	vmov s14;
	s14 =	simm.s32 $0x80;
	s15 =	simm.s32 $0x400;
	(pc) =	sbr.rel .LBB2_1-.Ltmp0, $4  }
0x10: {  	v2 =	vmov s16;
	v3 =	vmov s17;
	s16 =	simm.s32 $0x3;
	s17 =	simm.s32 $0x800;
	s29 =	sshrl.u32 s9, $0x15  }
0x11: {  	v10 =	vimm.s32 $0x0;
	v5 =	vmov s18;
	v8 =	vmov s19;
	s18 =	simm.s32 $0xA800;
	s19 =	simm.s32 $0x1;
	s8 =	sand.u32 $0x70, s29  }
0x12: {  	v11 =	vlaneseq.u32;
	v6 =	vmov s20;
	v7 =	vmov s21;
	s20 =	simm.s32 $0x2;
	s21 =	simm.s32 $0x0;
	s8 =	sadd.s32 s8, s4  }
0x13: {  	v12 =	vimm.s32 $0x1;
	v0 =	vmov s11;
	v9 =	vmov s22;
	s11 =	sadd.s32 s2, s31;
	s9 =	sadd.s32 s2, s30;
	s8 =	sadd.s32 $0xC00, s8  }
.LBB2_27:
0x14: {  	s21 =	sadd.s32 $0x1, s21  }
0x15: {  	_ =	swait.ge [sflag:s19], $0xA000;
	p1 =	sne.s32 s21, s12  }
.Ltmp1:
0x16: {  	[sflag:s19] =	ssyncset.done $0x0;
	(pc) =	sbr.rel @!p1 .LBB2_28-.Ltmp1, $4  }
0x17: {  	[sflag:s19] =	ssyncadd.s32 $0xFFFF6000  }
0x18: {  	_ =	swait.ge [sflag:s20], $0xA000  }
0x19: {  	[sflag:s20] =	ssyncset.done $0x0  }
0x1a: {  	[sflag:s20] =	ssyncadd.s32 $0xFFFF6000  }
.LBB2_1:
0x1b: {  	s22 =	simm.s32 $0xFFFF6000  }
0x1c: {  	s23 =	simm.s32 $0x0;
	s24 =	simm.s32 $0x0;
	s25 =	simm.s32 $0x0  }
.LBB2_2:
0x1d: {  	s26 =	sadd.s32 $0xA000, s22  }
0x1e: {  	s28 =	sand.u32 $0x380, s25;
	s26 =	sand.u32 $0xE000, s26  }
0x1f: {  	s26 =	sor.u32 s28, s26  }
0x20: {  	[tilespmem:s26+$0x800] =	vst v10  }
0x21: {  	[tilespmem:s26+$0x810] =	vst v10  }
0x22: {  	[tilespmem:s26+$0x820] =	vst v10  }
0x23: {  	[tilespmem:s26+$0x830] =	vst v10  }
0x24: {  	[tilespmem:s26+$0x840] =	vst v10  }
0x25: {  	[tilespmem:s26+$0x850] =	vst v10  }
0x26: {  	[tilespmem:s26+$0x860] =	vst v10  }
0x27: {  	[tilespmem:s26+$0x870] =	vst v10  }
0x28: {  	[tilespmem:s26+$0xC00] =	vst v10  }
0x29: {  	[tilespmem:s26+$0xC10] =	vst v10  }
0x2a: {  	[tilespmem:s26+$0xC20] =	vst v10  }
0x2b: {  	[tilespmem:s26+$0xC30] =	vst v10  }
0x2c: {  	[tilespmem:s26+$0xC40] =	vst v10  }
0x2d: {  	[tilespmem:s26+$0xC50] =	vst v10  }
0x2e: {  	[tilespmem:s26+$0xC60] =	vst v10  }
0x2f: {  	[tilespmem:s26+$0xC70] =	vst v10  }
0x30: {  	[tilespmem:s26+$0x1000] =	vst v10  }
0x31: {  	[tilespmem:s26+$0x1010] =	vst v10  }
0x32: {  	[tilespmem:s26+$0x1020] =	vst v10  }
0x33: {  	[tilespmem:s26+$0x1030] =	vst v10  }
0x34: {  	[tilespmem:s26+$0x1040] =	vst v10  }
0x35: {  	[tilespmem:s26+$0x1050] =	vst v10  }
0x36: {  	[tilespmem:s26+$0x1060] =	vst v10  }
0x37: {  	[tilespmem:s26+$0x1070] =	vst v10  }
0x38: {  	[tilespmem:s26+$0x1400] =	vst v10  }
0x39: {  	[tilespmem:s26+$0x1410] =	vst v10  }
0x3a: {  	[tilespmem:s26+$0x1420] =	vst v10  }
0x3b: {  	[tilespmem:s26+$0x1430] =	vst v10  }
0x3c: {  	[tilespmem:s26+$0x1440] =	vst v10  }
0x3d: {  	[tilespmem:s26+$0x1450] =	vst v10  }
0x3e: {  	[tilespmem:s26+$0x1460] =	vst v10  }
0x3f: {  	[tilespmem:s26+$0x1470] =	vst v10  }
0x40: {  	[tilespmem:s26+$0x1800] =	vst v10  }
0x41: {  	[tilespmem:s26+$0x1810] =	vst v10  }
0x42: {  	[tilespmem:s26+$0x1820] =	vst v10  }
0x43: {  	[tilespmem:s26+$0x1830] =	vst v10  }
0x44: {  	[tilespmem:s26+$0x1840] =	vst v10  }
0x45: {  	[tilespmem:s26+$0x1850] =	vst v10  }
0x46: {  	[tilespmem:s26+$0x1860] =	vst v10  }
0x47: {  	[tilespmem:s26+$0x1870] =	vst v10  }
0x48: {  	[tilespmem:s26+$0x1C00] =	vst v10  }
0x49: {  	[tilespmem:s26+$0x1C10] =	vst v10  }
0x4a: {  	[tilespmem:s26+$0x1C20] =	vst v10  }
0x4b: {  	[tilespmem:s26+$0x1C30] =	vst v10  }
0x4c: {  	[tilespmem:s26+$0x1C40] =	vst v10  }
0x4d: {  	[tilespmem:s26+$0x1C50] =	vst v10  }
0x4e: {  	[tilespmem:s26+$0x1C60] =	vst v10  }
0x4f: {  	[tilespmem:s26+$0x1C70] =	vst v10  }
0x50: {  	[tilespmem:s26+$0x2000] =	vst v10  }
0x51: {  	[tilespmem:s26+$0x2010] =	vst v10  }
0x52: {  	[tilespmem:s26+$0x2020] =	vst v10  }
0x53: {  	[tilespmem:s26+$0x2030] =	vst v10  }
0x54: {  	s29 =	sand.u32 $0x7, s23;
	[tilespmem:s26+$0x2040] =	vst v10  }
0x55: {  	s28 =	sshll.u32 s29, $0x7;
	[tilespmem:s26+$0x2050] =	vst v10  }
0x56: {  	s28 =	sadd.s32 s28, s24;
	[tilespmem:s26+$0x2060] =	vst v10  }
0x57: {  	[tilespmem:s26+$0x2070] =	vst v10;
	s30 =	sor.u32 $0x1C00, s28  }
0x58: {  	s31 =	sor.u32 $0x1C10, s28;
	[tilespmem:s30+$0x800] =	vst v10  }
0x59: {  	s29 =	sor.u32 $0x1C20, s28;
	[tilespmem:s31+$0x800] =	vst v10  }
0x5a: {  	p1 =	sne.s32 s25, $0x1380;
	s30 =	sor.u32 $0x1C30, s28;
	[tilespmem:s29+$0x800] =	vst v10  }
.Ltmp2:
0x5b: {  	s31 =	sor.u32 $0x1C40, s28;
	[tilespmem:s30+$0x800] =	vst v10;
	(pc) =	sbr.rel @p1 .LBB2_2-.Ltmp2, $4  }
0x5c: {  	s29 =	sor.u32 $0x1C50, s28;
	[tilespmem:s31+$0x800] =	vst v10  }
0x5d: {  	s30 =	sor.u32 $0x1C60, s28;
	[tilespmem:s29+$0x800] =	vst v10  }
0x5e: {  	s23 =	sadd.s32 $0x1, s23;
	s31 =	sor.u32 $0x1C70, s28;
	[tilespmem:s30+$0x800] =	vst v10  }
0x5f: {  	s22 =	sadd.s32 $0x400, s22;
	s25 =	sadd.s32 $0x80, s25;
	s24 =	sadd.s32 $0x400, s24;
	[tilespmem:s31+$0x800] =	vst v10  }
0x60: {  	s22 =	simm.s32 $0x0  }
0x61: {  	[tilespmem:s22], [sflag:$0x3] =	stream.strided.gather [hbm4b:s5+s14], $0x400, s15, s14, $0x38;
	[tilespmem:$0x14800] =	vst v63  }
0x62: {  	_ =	swait.ge [sflag:s16], $0x400  }
0x63: {  	[sflag:s16] =	ssyncset.done $0x0  }
0x64: {  	s23 =	simm.s32 $0x20;
	[sflag:s16] =	ssyncadd.s32 $0xFFFFFC00  }
.LBB2_4:
0x65: {  	v13 =	vld [tilespmem:s23+$0xFFFFFFE0]  }
0x66: {  	v14 =	vmov s22  }
0x67: {  	v15 =	vor.u32 s22, v11;
	v14 =	vshll.u32 v14, $0x3  }
0x68: {  	v15 =	vand.u32 $0x4F, v15;
	v14 =	vand.u32 $0x1C00, v14  }
0x69: {  	v14 =	vor.u32 v14, v15  }
0x6a: {  	vm0 =	vge.s32 v13, v0;
	v16 =	vsub.s32 v13, v0;
	v15 =	vshll.u32 v13, $0x7  }
0x6b: {  	vm1 =	vlt.s32 v13, v1;
	v13 =	vshll.u32 v16, $0xA;
	v15 =	vand.u32 $0x380, v15  }
0x6c: {  	vm0 =	vmand vm0, vm1;
	v13 =	vand.u32 $0xFFFFE000, v13;
	v14 =	vor.u32 v15, v14  }
0x6d: {  	v13 =	vor.u32 v13, v14;
	_ =	sdelay $0x4  }
0x6e: {  	[tilespmem:v13+s17+$0x0] =	vst.idx.msk vm0, v12  }
0x6f: {  	s24 =	sadd.s32 $0x10, s22;
	v13 =	vld [tilespmem:s23+$0xFFFFFFF0]  }
0x70: {  	v14 =	vmov s24  }
0x71: {  	v15 =	vor.u32 s24, v11;
	v14 =	vshll.u32 v14, $0x3  }
0x72: {  	v15 =	vand.u32 $0x5F, v15;
	v14 =	vand.u32 $0x1C00, v14  }
0x73: {  	v14 =	vor.u32 v14, v15  }
0x74: {  	vm10 =	vge.s32 v13, v0;
	v61 =	vsub.s32 v13, v0;
	v15 =	vshll.u32 v13, $0x7  }
0x75: {  	vm11 =	vlt.s32 v13, v1;
	v13 =	vshll.u32 v61, $0xA;
	v15 =	vand.u32 $0x380, v15  }
0x76: {  	vm0 =	vmand vm10, vm11;
	v13 =	vand.u32 $0xFFFFE000, v13;
	v14 =	vor.u32 v15, v14  }
0x77: {  	v13 =	vor.u32 v13, v14;
	_ =	sdelay $0x4  }
0x78: {  	[tilespmem:v13+s17+$0x0] =	vst.idx.msk vm0, v12  }
0x79: {  	s30 =	sadd.s32 $0x20, s22;
	v13 =	vld [tilespmem:s23+$0x0]  }
0x7a: {  	v14 =	vmov s30  }
0x7b: {  	v15 =	vor.u32 s30, v11;
	v14 =	vshll.u32 v14, $0x3  }
0x7c: {  	v15 =	vand.u32 $0x6F, v15;
	v14 =	vand.u32 $0x1C00, v14  }
0x7d: {  	v14 =	vor.u32 v14, v15  }
0x7e: {  	vm12 =	vge.s32 v13, v0;
	v62 =	vsub.s32 v13, v0;
	v15 =	vshll.u32 v13, $0x7  }
0x7f: {  	vm13 =	vlt.s32 v13, v1;
	v13 =	vshll.u32 v62, $0xA;
	v15 =	vand.u32 $0x380, v15  }
0x80: {  	vm0 =	vmand vm12, vm13;
	v13 =	vand.u32 $0xFFFFE000, v13;
	v14 =	vor.u32 v15, v14  }
0x81: {  	v13 =	vor.u32 v13, v14;
	_ =	sdelay $0x4  }
0x82: {  	[tilespmem:v13+s17+$0x0] =	vst.idx.msk vm0, v12  }
0x83: {  	s31 =	sadd.s32 $0x30, s22;
	v13 =	vld [tilespmem:s23+$0x10]  }
0x84: {  	v14 =	vmov s31  }
0x85: {  	v15 =	vor.u32 s31, v11;
	v14 =	vshll.u32 v14, $0x3  }
0x86: {  	v15 =	vand.u32 $0x7F, v15;
	v14 =	vand.u32 $0x1C00, v14  }
0x87: {  	v14 =	vor.u32 v14, v15  }
0x88: {  	vm14 =	vge.s32 v13, v0;
	v63 =	vsub.s32 v13, v0;
	v15 =	vshll.u32 v13, $0x7  }
0x89: {  	vm15 =	vlt.s32 v13, v1;
	v13 =	vshll.u32 v63, $0xA;
	v15 =	vand.u32 $0x380, v15  }
0x8a: {  	vm0 =	vmand vm14, vm15;
	v13 =	vand.u32 $0xFFFFE000, v13;
	v14 =	vor.u32 v15, v14  }
0x8b: {  	p1 =	sne.s32 s22, $0x3C0;
	v13 =	vor.u32 v13, v14  }
.Ltmp3:
0x8c: {  	_ = 	snop;
	(pc) =	sbr.rel @p1 .LBB2_4-.Ltmp3, $2  }
0x8d: {  	_ =	sdelay $0x2  }
0x8e: {  	s22 =	sadd.s32 $0x40, s22;
	s23 =	sadd.s32 $0x40, s23;
	[tilespmem:v13+s17+$0x0] =	vst.idx.msk vm0, v12  }
0x8f: {  	s22 =	simm.s32 $0x0;
	s23 =	simm.s32 $0xFFFF6000  }
0x90: {  	s24 =	simm.s32 $0x0;
	s25 =	simm.s32 $0x0;
	s26 =	simm.s32 $0x0  }
0x91: {  	[hbm4b:s6+s22] =	stream.linear.scatter [tilespmem:s17], [sflag:$0x1], $0xA000, $0x38;
	[tilespmem:$0x14800] =	vst v63  }
.LBB2_6:
0x92: {  	s28 =	sadd.s32 $0xA000, s23  }
0x93: {  	s29 =	sand.u32 $0x380, s26;
	s28 =	sand.u32 $0xE000, s28  }
0x94: {  	s28 =	sor.u32 s29, s28  }
0x95: {  	[tilespmem:s28+$0xA800] =	vst v10  }
0x96: {  	[tilespmem:s28+$0xA810] =	vst v10  }
0x97: {  	[tilespmem:s28+$0xA820] =	vst v10  }
0x98: {  	[tilespmem:s28+$0xA830] =	vst v10  }
0x99: {  	[tilespmem:s28+$0xA840] =	vst v10  }
0x9a: {  	[tilespmem:s28+$0xA850] =	vst v10  }
0x9b: {  	[tilespmem:s28+$0xA860] =	vst v10  }
0x9c: {  	[tilespmem:s28+$0xA870] =	vst v10  }
0x9d: {  	[tilespmem:s28+$0xAC00] =	vst v10  }
0x9e: {  	[tilespmem:s28+$0xAC10] =	vst v10  }
0x9f: {  	[tilespmem:s28+$0xAC20] =	vst v10  }
0xa0: {  	[tilespmem:s28+$0xAC30] =	vst v10  }
0xa1: {  	[tilespmem:s28+$0xAC40] =	vst v10  }
0xa2: {  	[tilespmem:s28+$0xAC50] =	vst v10  }
0xa3: {  	[tilespmem:s28+$0xAC60] =	vst v10  }
0xa4: {  	[tilespmem:s28+$0xAC70] =	vst v10  }
0xa5: {  	[tilespmem:s28+$0xB000] =	vst v10  }
0xa6: {  	[tilespmem:s28+$0xB010] =	vst v10  }
0xa7: {  	[tilespmem:s28+$0xB020] =	vst v10  }
0xa8: {  	[tilespmem:s28+$0xB030] =	vst v10  }
0xa9: {  	[tilespmem:s28+$0xB040] =	vst v10  }
0xaa: {  	[tilespmem:s28+$0xB050] =	vst v10  }
0xab: {  	[tilespmem:s28+$0xB060] =	vst v10  }
0xac: {  	[tilespmem:s28+$0xB070] =	vst v10  }
0xad: {  	[tilespmem:s28+$0xB400] =	vst v10  }
0xae: {  	[tilespmem:s28+$0xB410] =	vst v10  }
0xaf: {  	[tilespmem:s28+$0xB420] =	vst v10  }
0xb0: {  	[tilespmem:s28+$0xB430] =	vst v10  }
0xb1: {  	[tilespmem:s28+$0xB440] =	vst v10  }
0xb2: {  	[tilespmem:s28+$0xB450] =	vst v10  }
0xb3: {  	[tilespmem:s28+$0xB460] =	vst v10  }
0xb4: {  	[tilespmem:s28+$0xB470] =	vst v10  }
0xb5: {  	[tilespmem:s28+$0xB800] =	vst v10  }
0xb6: {  	[tilespmem:s28+$0xB810] =	vst v10  }
0xb7: {  	[tilespmem:s28+$0xB820] =	vst v10  }
0xb8: {  	[tilespmem:s28+$0xB830] =	vst v10  }
0xb9: {  	[tilespmem:s28+$0xB840] =	vst v10  }
0xba: {  	[tilespmem:s28+$0xB850] =	vst v10  }
0xbb: {  	[tilespmem:s28+$0xB860] =	vst v10  }
0xbc: {  	[tilespmem:s28+$0xB870] =	vst v10  }
0xbd: {  	[tilespmem:s28+$0xBC00] =	vst v10  }
0xbe: {  	[tilespmem:s28+$0xBC10] =	vst v10  }
0xbf: {  	[tilespmem:s28+$0xBC20] =	vst v10  }
0xc0: {  	[tilespmem:s28+$0xBC30] =	vst v10  }
0xc1: {  	[tilespmem:s28+$0xBC40] =	vst v10  }
0xc2: {  	[tilespmem:s28+$0xBC50] =	vst v10  }
0xc3: {  	[tilespmem:s28+$0xBC60] =	vst v10  }
0xc4: {  	[tilespmem:s28+$0xBC70] =	vst v10  }
0xc5: {  	[tilespmem:s28+$0xC000] =	vst v10  }
0xc6: {  	[tilespmem:s28+$0xC010] =	vst v10  }
0xc7: {  	[tilespmem:s28+$0xC020] =	vst v10  }
0xc8: {  	[tilespmem:s28+$0xC030] =	vst v10  }
0xc9: {  	s31 =	sand.u32 $0x7, s24;
	[tilespmem:s28+$0xC040] =	vst v10  }
0xca: {  	s29 =	sshll.u32 s31, $0x7;
	[tilespmem:s28+$0xC050] =	vst v10  }
0xcb: {  	s29 =	sadd.s32 s29, s25;
	[tilespmem:s28+$0xC060] =	vst v10  }
0xcc: {  	[tilespmem:s28+$0xC070] =	vst v10;
	s30 =	sor.u32 $0x1C00, s29  }
0xcd: {  	s31 =	sor.u32 $0x1C10, s29;
	[tilespmem:s30+$0xA800] =	vst v10  }
0xce: {  	s30 =	sor.u32 $0x1C20, s29;
	[tilespmem:s31+$0xA800] =	vst v10  }
0xcf: {  	p1 =	sne.s32 s26, $0x1380;
	s31 =	sor.u32 $0x1C30, s29;
	[tilespmem:s30+$0xA800] =	vst v10  }
.Ltmp4:
0xd0: {  	s30 =	sor.u32 $0x1C40, s29;
	[tilespmem:s31+$0xA800] =	vst v10;
	(pc) =	sbr.rel @p1 .LBB2_6-.Ltmp4, $4  }
0xd1: {  	s31 =	sor.u32 $0x1C50, s29;
	[tilespmem:s30+$0xA800] =	vst v10  }
0xd2: {  	s30 =	sor.u32 $0x1C60, s29;
	[tilespmem:s31+$0xA800] =	vst v10  }
0xd3: {  	s24 =	sadd.s32 $0x1, s24;
	s31 =	sor.u32 $0x1C70, s29;
	[tilespmem:s30+$0xA800] =	vst v10  }
0xd4: {  	s23 =	sadd.s32 $0x400, s23;
	s26 =	sadd.s32 $0x80, s26;
	s25 =	sadd.s32 $0x400, s25;
	[tilespmem:s31+$0xA800] =	vst v10  }
.LBB2_7:
0xd5: {  	p1 =	seq.s32 s22, $0x0  }
.Ltmp5:
0xd6: {  	_ = 	snop;
	(pc) =	sbr.rel @p1 .LBB2_10-.Ltmp5, $4  }
0xd7: {  	_ = 	snop  }
0xd8: {  	s23 =	sshll.u32 s22, $0x6  }
0xd9: {  	s24 =	sor.u32 s13, s23  }
0xda: {  	s25 =	smul.u32 $0x28, s24  }
0xdb: {  	_ =	swait.ge [sflag:s20], $0xA000  }
0xdc: {  	s26 =	sadd.s32 $0xFFFFF600, s25;
	[sflag:s20] =	ssyncset.done $0x0;
	s28 =	sadd.s32 $0xFFFFF628, s25  }
0xdd: {  	[sflag:s20] =	ssyncadd.s32 $0xFFFF6000;
	v13 =	vmov s26;
	v14 =	vmov s28;
	s26 =	simm.s32 $0x0;
	s28 =	simm.s32 $0x420  }
.LBB2_9:
0xde: {  	v15 =	vld [tilespmem:s28+$0xFFFFFFE0]  }
0xdf: {  	v16 =	vmov s26  }
0xe0: {  	v17 =	vor.u32 s26, v11;
	v16 =	vshll.u32 v16, $0x3  }
0xe1: {  	v17 =	vand.u32 $0x4F, v17;
	v16 =	vand.u32 $0x1C00, v16  }
0xe2: {  	v16 =	vor.u32 v16, v17  }
0xe3: {  	vm0 =	vge.s32 v15, v13;
	v18 =	vsub.s32 v15, v13;
	v51 =	vshll.u32 v15, $0x7  }
0xe4: {  	vm1 =	vlt.s32 v15, v14;
	v15 =	vshll.u32 v18, $0xA;
	v17 =	vand.u32 $0x380, v51  }
0xe5: {  	vm0 =	vmand vm0, vm1;
	v15 =	vand.u32 $0xFFFFE000, v15;
	v16 =	vor.u32 v17, v16  }
0xe6: {  	v15 =	vor.u32 v15, v16;
	_ =	sdelay $0x4  }
0xe7: {  	[tilespmem:v15+s18+$0x0] =	vst.idx.msk vm0, v10  }
0xe8: {  	s29 =	sadd.s32 $0x10, s26;
	v15 =	vld [tilespmem:s28+$0xFFFFFFF0]  }
0xe9: {  	v52 =	vmov s29  }
0xea: {  	v53 =	vor.u32 s29, v11;
	v16 =	vshll.u32 v52, $0x3  }
0xeb: {  	v17 =	vand.u32 $0x5F, v53;
	v16 =	vand.u32 $0x1C00, v16  }
0xec: {  	v16 =	vor.u32 v16, v17  }
0xed: {  	vm10 =	vge.s32 v15, v13;
	v54 =	vsub.s32 v15, v13;
	v55 =	vshll.u32 v15, $0x7  }
0xee: {  	vm11 =	vlt.s32 v15, v14;
	v15 =	vshll.u32 v54, $0xA;
	v17 =	vand.u32 $0x380, v55  }
0xef: {  	vm0 =	vmand vm10, vm11;
	v15 =	vand.u32 $0xFFFFE000, v15;
	v16 =	vor.u32 v17, v16  }
0xf0: {  	v15 =	vor.u32 v15, v16;
	_ =	sdelay $0x4  }
0xf1: {  	[tilespmem:v15+s18+$0x0] =	vst.idx.msk vm0, v10  }
0xf2: {  	s30 =	sadd.s32 $0x20, s26;
	v15 =	vld [tilespmem:s28+$0x0]  }
0xf3: {  	v56 =	vmov s30  }
0xf4: {  	v57 =	vor.u32 s30, v11;
	v16 =	vshll.u32 v56, $0x3  }
0xf5: {  	v17 =	vand.u32 $0x6F, v57;
	v16 =	vand.u32 $0x1C00, v16  }
0xf6: {  	v16 =	vor.u32 v16, v17  }
0xf7: {  	vm12 =	vge.s32 v15, v13;
	v58 =	vsub.s32 v15, v13;
	v59 =	vshll.u32 v15, $0x7  }
0xf8: {  	vm13 =	vlt.s32 v15, v14;
	v15 =	vshll.u32 v58, $0xA;
	v17 =	vand.u32 $0x380, v59  }
0xf9: {  	vm0 =	vmand vm12, vm13;
	v15 =	vand.u32 $0xFFFFE000, v15;
	v16 =	vor.u32 v17, v16  }
0xfa: {  	v15 =	vor.u32 v15, v16;
	_ =	sdelay $0x4  }
0xfb: {  	[tilespmem:v15+s18+$0x0] =	vst.idx.msk vm0, v10  }
0xfc: {  	s31 =	sadd.s32 $0x30, s26;
	v15 =	vld [tilespmem:s28+$0x10]  }
0xfd: {  	v60 =	vmov s31  }
0xfe: {  	v61 =	vor.u32 s31, v11;
	v16 =	vshll.u32 v60, $0x3  }
0xff: {  	v17 =	vand.u32 $0x7F, v61;
	v16 =	vand.u32 $0x1C00, v16  }
0x100: {  	v16 =	vor.u32 v16, v17  }
0x101: {  	vm14 =	vge.s32 v15, v13;
	v62 =	vsub.s32 v15, v13;
	v63 =	vshll.u32 v15, $0x7  }
0x102: {  	vm15 =	vlt.s32 v15, v14;
	v15 =	vshll.u32 v62, $0xA;
	v17 =	vand.u32 $0x380, v63  }
0x103: {  	vm0 =	vmand vm14, vm15;
	v15 =	vand.u32 $0xFFFFE000, v15;
	v16 =	vor.u32 v17, v16  }
0x104: {  	p1 =	sne.s32 s26, $0x3C0;
	v15 =	vor.u32 v15, v16  }
.Ltmp6:
0x105: {  	_ = 	snop;
	(pc) =	sbr.rel @p1 .LBB2_9-.Ltmp6, $2  }
0x106: {  	_ =	sdelay $0x2  }
0x107: {  	s26 =	sadd.s32 $0x40, s26;
	s28 =	sadd.s32 $0x40, s28;
	[tilespmem:v15+s18+$0x0] =	vst.idx.msk vm0, v10  }
.LBB2_10:
0x108: {  	s26 =	smulhi.u32 $0x51EB851F, s24;
	_ =	sdelay $0x1  }
0x109: {  	s28 =	sshll.u32 s26, $0x1  }
0x10a: {  	s26 =	sshll.u32 s26, $0x4;
	s28 =	sand.u32 $0x70, s28  }
0x10b: {  	s26 =	sand.u32 $0xFFFFC00, s26;
	s28 =	sadd.s32 s4, s28  }
0x10c: {  	s26 =	sadd.s32 s26, s28  }
0x10d: {  	[tilespmem:s15], [sflag:$0x3] =	stream.strided.gather [hbm4b:s26+s14], $0x400, s15, s14, $0x38;
	[tilespmem:$0x14800] =	vst v63  }
0x10e: {  	_ =	swait.ge [sflag:s16], $0x400  }
0x10f: {  	s31 =	sadd.s32 $0x28, s25;
	[sflag:s16] =	ssyncset.done $0x0  }
0x110: {  	v13 =	vmov s25;
	s25 =	simm.s32 $0x0;
	v14 =	vmov s31;
	s26 =	simm.s32 $0x420;
	[sflag:s16] =	ssyncadd.s32 $0xFFFFFC00  }
.LBB2_11:
0x111: {  	v15 =	vld [tilespmem:s26+$0xFFFFFFE0]  }
0x112: {  	v16 =	vmov s25  }
0x113: {  	v17 =	vor.u32 s25, v11;
	v16 =	vshll.u32 v16, $0x3  }
0x114: {  	v17 =	vand.u32 $0x4F, v17;
	v16 =	vand.u32 $0x1C00, v16  }
0x115: {  	v16 =	vor.u32 v16, v17  }
0x116: {  	vm0 =	vge.s32 v15, v13;
	v18 =	vsub.s32 v15, v13;
	v51 =	vshll.u32 v15, $0x7  }
0x117: {  	vm1 =	vlt.s32 v15, v14;
	v15 =	vshll.u32 v18, $0xA;
	v17 =	vand.u32 $0x380, v51  }
0x118: {  	vm0 =	vmand vm0, vm1;
	v15 =	vand.u32 $0xFFFFE000, v15;
	v16 =	vor.u32 v17, v16  }
0x119: {  	v15 =	vor.u32 v15, v16;
	_ =	sdelay $0x4  }
0x11a: {  	[tilespmem:v15+s18+$0x0] =	vst.idx.msk vm0, v12  }
0x11b: {  	s28 =	sadd.s32 $0x10, s25;
	v15 =	vld [tilespmem:s26+$0xFFFFFFF0]  }
0x11c: {  	v52 =	vmov s28  }
0x11d: {  	v53 =	vor.u32 s28, v11;
	v16 =	vshll.u32 v52, $0x3  }
0x11e: {  	v17 =	vand.u32 $0x5F, v53;
	v16 =	vand.u32 $0x1C00, v16  }
0x11f: {  	v16 =	vor.u32 v16, v17  }
0x120: {  	vm10 =	vge.s32 v15, v13;
	v54 =	vsub.s32 v15, v13;
	v55 =	vshll.u32 v15, $0x7  }
0x121: {  	vm11 =	vlt.s32 v15, v14;
	v15 =	vshll.u32 v54, $0xA;
	v17 =	vand.u32 $0x380, v55  }
0x122: {  	vm0 =	vmand vm10, vm11;
	v15 =	vand.u32 $0xFFFFE000, v15;
	v16 =	vor.u32 v17, v16  }
0x123: {  	v15 =	vor.u32 v15, v16;
	_ =	sdelay $0x4  }
0x124: {  	[tilespmem:v15+s18+$0x0] =	vst.idx.msk vm0, v12  }
0x125: {  	s30 =	sadd.s32 $0x20, s25;
	v15 =	vld [tilespmem:s26+$0x0]  }
0x126: {  	v56 =	vmov s30  }
0x127: {  	v57 =	vor.u32 s30, v11;
	v16 =	vshll.u32 v56, $0x3  }
0x128: {  	v17 =	vand.u32 $0x6F, v57;
	v16 =	vand.u32 $0x1C00, v16  }
0x129: {  	v16 =	vor.u32 v16, v17  }
0x12a: {  	vm12 =	vge.s32 v15, v13;
	v58 =	vsub.s32 v15, v13;
	v59 =	vshll.u32 v15, $0x7  }
0x12b: {  	vm13 =	vlt.s32 v15, v14;
	v15 =	vshll.u32 v58, $0xA;
	v17 =	vand.u32 $0x380, v59  }
0x12c: {  	vm0 =	vmand vm12, vm13;
	v15 =	vand.u32 $0xFFFFE000, v15;
	v16 =	vor.u32 v17, v16  }
0x12d: {  	v15 =	vor.u32 v15, v16;
	_ =	sdelay $0x4  }
0x12e: {  	[tilespmem:v15+s18+$0x0] =	vst.idx.msk vm0, v12  }
0x12f: {  	s31 =	sadd.s32 $0x30, s25;
	v15 =	vld [tilespmem:s26+$0x10]  }
0x130: {  	v60 =	vmov s31  }
0x131: {  	v61 =	vor.u32 s31, v11;
	v16 =	vshll.u32 v60, $0x3  }
0x132: {  	v17 =	vand.u32 $0x7F, v61;
	v16 =	vand.u32 $0x1C00, v16  }
0x133: {  	v16 =	vor.u32 v16, v17  }
0x134: {  	vm14 =	vge.s32 v15, v13;
	v62 =	vsub.s32 v15, v13;
	v63 =	vshll.u32 v15, $0x7  }
0x135: {  	vm15 =	vlt.s32 v15, v14;
	v15 =	vshll.u32 v62, $0xA;
	v17 =	vand.u32 $0x380, v63  }
0x136: {  	vm0 =	vmand vm14, vm15;
	v15 =	vand.u32 $0xFFFFE000, v15;
	v16 =	vor.u32 v17, v16  }
0x137: {  	p1 =	sne.s32 s25, $0x3C0;
	v15 =	vor.u32 v15, v16  }
.Ltmp7:
0x138: {  	_ = 	snop;
	(pc) =	sbr.rel @p1 .LBB2_11-.Ltmp7, $2  }
0x139: {  	_ =	sdelay $0x2  }
0x13a: {  	s25 =	sadd.s32 $0x40, s25;
	s26 =	sadd.s32 $0x40, s26;
	[tilespmem:v15+s18+$0x0] =	vst.idx.msk vm0, v12  }
0x13b: {  	s24 =	smul.u32 $0x1400, s24;
	_ =	sdelay $0x1  }
0x13c: {  	s25 =	simm.s32 $0x0;
	s23 =	sadd.s32 s7, s23;
	s24 =	sadd.s32 s2, s24  }
0x13d: {  	[hbm4b:s24+s25] =	stream.linear.scatter [tilespmem:s18], [sflag:$0x2], $0xA000, $0x38;
	[tilespmem:$0x14800] =	vst v63  }
0x13e: {  	s24 =	smul.u32 $0x28, s23  }
0x13f: {  	_ =	swait.ge [sflag:s19], $0xA000  }
0x140: {  	s26 =	sadd.s32 $0xFFFFF600, s24;
	[sflag:s19] =	ssyncset.done $0x0;
	s28 =	sadd.s32 $0xFFFFF628, s24  }
0x141: {  	[sflag:s19] =	ssyncadd.s32 $0xFFFF6000;
	v13 =	vmov s26;
	v14 =	vmov s28;
	s26 =	simm.s32 $0x20  }
.LBB2_13:
0x142: {  	v15 =	vld [tilespmem:s26+$0xFFFFFFE0]  }
0x143: {  	v16 =	vmov s25  }
0x144: {  	v17 =	vor.u32 s25, v11;
	v16 =	vshll.u32 v16, $0x3  }
0x145: {  	v17 =	vand.u32 $0x4F, v17;
	v16 =	vand.u32 $0x1C00, v16  }
0x146: {  	v16 =	vor.u32 v16, v17  }
0x147: {  	vm0 =	vge.s32 v15, v13;
	v18 =	vsub.s32 v15, v13;
	v51 =	vshll.u32 v15, $0x7  }
0x148: {  	vm1 =	vlt.s32 v15, v14;
	v15 =	vshll.u32 v18, $0xA;
	v17 =	vand.u32 $0x380, v51  }
0x149: {  	vm0 =	vmand vm0, vm1;
	v15 =	vand.u32 $0xFFFFE000, v15;
	v16 =	vor.u32 v17, v16  }
0x14a: {  	v15 =	vor.u32 v15, v16;
	_ =	sdelay $0x4  }
0x14b: {  	[tilespmem:v15+s17+$0x0] =	vst.idx.msk vm0, v10  }
0x14c: {  	s28 =	sadd.s32 $0x10, s25;
	v15 =	vld [tilespmem:s26+$0xFFFFFFF0]  }
0x14d: {  	v52 =	vmov s28  }
0x14e: {  	v53 =	vor.u32 s28, v11;
	v16 =	vshll.u32 v52, $0x3  }
0x14f: {  	v17 =	vand.u32 $0x5F, v53;
	v16 =	vand.u32 $0x1C00, v16  }
0x150: {  	v16 =	vor.u32 v16, v17  }
0x151: {  	vm10 =	vge.s32 v15, v13;
	v54 =	vsub.s32 v15, v13;
	v55 =	vshll.u32 v15, $0x7  }
0x152: {  	vm11 =	vlt.s32 v15, v14;
	v15 =	vshll.u32 v54, $0xA;
	v17 =	vand.u32 $0x380, v55  }
0x153: {  	vm0 =	vmand vm10, vm11;
	v15 =	vand.u32 $0xFFFFE000, v15;
	v16 =	vor.u32 v17, v16  }
0x154: {  	v15 =	vor.u32 v15, v16;
	_ =	sdelay $0x4  }
0x155: {  	[tilespmem:v15+s17+$0x0] =	vst.idx.msk vm0, v10  }
0x156: {  	s30 =	sadd.s32 $0x20, s25;
	v15 =	vld [tilespmem:s26+$0x0]  }
0x157: {  	v56 =	vmov s30  }
0x158: {  	v57 =	vor.u32 s30, v11;
	v16 =	vshll.u32 v56, $0x3  }
0x159: {  	v17 =	vand.u32 $0x6F, v57;
	v16 =	vand.u32 $0x1C00, v16  }
0x15a: {  	v16 =	vor.u32 v16, v17  }
0x15b: {  	vm12 =	vge.s32 v15, v13;
	v58 =	vsub.s32 v15, v13;
	v59 =	vshll.u32 v15, $0x7  }
0x15c: {  	vm13 =	vlt.s32 v15, v14;
	v15 =	vshll.u32 v58, $0xA;
	v17 =	vand.u32 $0x380, v59  }
0x15d: {  	vm0 =	vmand vm12, vm13;
	v15 =	vand.u32 $0xFFFFE000, v15;
	v16 =	vor.u32 v17, v16  }
0x15e: {  	v15 =	vor.u32 v15, v16;
	_ =	sdelay $0x4  }
0x15f: {  	[tilespmem:v15+s17+$0x0] =	vst.idx.msk vm0, v10  }
0x160: {  	s31 =	sadd.s32 $0x30, s25;
	v15 =	vld [tilespmem:s26+$0x10]  }
0x161: {  	v60 =	vmov s31  }
0x162: {  	v61 =	vor.u32 s31, v11;
	v16 =	vshll.u32 v60, $0x3  }
0x163: {  	v17 =	vand.u32 $0x7F, v61;
	v16 =	vand.u32 $0x1C00, v16  }
0x164: {  	v16 =	vor.u32 v16, v17  }
0x165: {  	vm14 =	vge.s32 v15, v13;
	v62 =	vsub.s32 v15, v13;
	v63 =	vshll.u32 v15, $0x7  }
0x166: {  	vm15 =	vlt.s32 v15, v14;
	v15 =	vshll.u32 v62, $0xA;
	v17 =	vand.u32 $0x380, v63  }
0x167: {  	vm0 =	vmand vm14, vm15;
	v15 =	vand.u32 $0xFFFFE000, v15;
	v16 =	vor.u32 v17, v16  }
0x168: {  	p1 =	sne.s32 s25, $0x3C0;
	v15 =	vor.u32 v15, v16  }
.Ltmp8:
0x169: {  	_ = 	snop;
	(pc) =	sbr.rel @p1 .LBB2_13-.Ltmp8, $2  }
0x16a: {  	_ =	sdelay $0x2  }
0x16b: {  	s25 =	sadd.s32 $0x40, s25;
	s26 =	sadd.s32 $0x40, s26;
	[tilespmem:v15+s17+$0x0] =	vst.idx.msk vm0, v10  }
0x16c: {  	s25 =	smulhi.u32 $0x51EB851F, s23;
	_ =	sdelay $0x1  }
0x16d: {  	s26 =	sshll.u32 s25, $0x1  }
0x16e: {  	s25 =	sshll.u32 s25, $0x4;
	s26 =	sand.u32 $0x70, s26  }
0x16f: {  	s25 =	sand.u32 $0xFFFFC00, s25;
	s26 =	sadd.s32 s4, s26  }
0x170: {  	s26 =	sadd.s32 s25, s26;
	s25 =	simm.s32 $0x0  }
0x171: {  	[tilespmem:s25], [sflag:$0x3] =	stream.strided.gather [hbm4b:s26+s14], $0x400, s15, s14, $0x38;
	[tilespmem:$0x14800] =	vst v63  }
0x172: {  	_ =	swait.ge [sflag:s16], $0x400  }
0x173: {  	s31 =	sadd.s32 $0x28, s24;
	[sflag:s16] =	ssyncset.done $0x0  }
0x174: {  	v13 =	vmov s24;
	s24 =	simm.s32 $0x20;
	v14 =	vmov s31;
	[sflag:s16] =	ssyncadd.s32 $0xFFFFFC00  }
.LBB2_15:
0x175: {  	v15 =	vld [tilespmem:s24+$0xFFFFFFE0]  }
0x176: {  	v16 =	vmov s25  }
0x177: {  	v17 =	vor.u32 s25, v11;
	v16 =	vshll.u32 v16, $0x3  }
0x178: {  	v17 =	vand.u32 $0x4F, v17;
	v16 =	vand.u32 $0x1C00, v16  }
0x179: {  	v16 =	vor.u32 v16, v17  }
0x17a: {  	vm0 =	vge.s32 v15, v13;
	v18 =	vsub.s32 v15, v13;
	v51 =	vshll.u32 v15, $0x7  }
0x17b: {  	vm1 =	vlt.s32 v15, v14;
	v15 =	vshll.u32 v18, $0xA;
	v17 =	vand.u32 $0x380, v51  }
0x17c: {  	vm0 =	vmand vm0, vm1;
	v15 =	vand.u32 $0xFFFFE000, v15;
	v16 =	vor.u32 v17, v16  }
0x17d: {  	v15 =	vor.u32 v15, v16;
	_ =	sdelay $0x4  }
0x17e: {  	[tilespmem:v15+s17+$0x0] =	vst.idx.msk vm0, v12  }
0x17f: {  	s26 =	sadd.s32 $0x10, s25;
	v15 =	vld [tilespmem:s24+$0xFFFFFFF0]  }
0x180: {  	v52 =	vmov s26  }
0x181: {  	v53 =	vor.u32 s26, v11;
	v16 =	vshll.u32 v52, $0x3  }
0x182: {  	v17 =	vand.u32 $0x5F, v53;
	v16 =	vand.u32 $0x1C00, v16  }
0x183: {  	v16 =	vor.u32 v16, v17  }
0x184: {  	vm10 =	vge.s32 v15, v13;
	v54 =	vsub.s32 v15, v13;
	v55 =	vshll.u32 v15, $0x7  }
0x185: {  	vm11 =	vlt.s32 v15, v14;
	v15 =	vshll.u32 v54, $0xA;
	v17 =	vand.u32 $0x380, v55  }
0x186: {  	vm0 =	vmand vm10, vm11;
	v15 =	vand.u32 $0xFFFFE000, v15;
	v16 =	vor.u32 v17, v16  }
0x187: {  	v15 =	vor.u32 v15, v16;
	_ =	sdelay $0x4  }
0x188: {  	[tilespmem:v15+s17+$0x0] =	vst.idx.msk vm0, v12  }
0x189: {  	s30 =	sadd.s32 $0x20, s25;
	v15 =	vld [tilespmem:s24+$0x0]  }
0x18a: {  	v56 =	vmov s30  }
0x18b: {  	v57 =	vor.u32 s30, v11;
	v16 =	vshll.u32 v56, $0x3  }
0x18c: {  	v17 =	vand.u32 $0x6F, v57;
	v16 =	vand.u32 $0x1C00, v16  }
0x18d: {  	v16 =	vor.u32 v16, v17  }
0x18e: {  	vm12 =	vge.s32 v15, v13;
	v58 =	vsub.s32 v15, v13;
	v59 =	vshll.u32 v15, $0x7  }
0x18f: {  	vm13 =	vlt.s32 v15, v14;
	v15 =	vshll.u32 v58, $0xA;
	v17 =	vand.u32 $0x380, v59  }
0x190: {  	vm0 =	vmand vm12, vm13;
	v15 =	vand.u32 $0xFFFFE000, v15;
	v16 =	vor.u32 v17, v16  }
0x191: {  	v15 =	vor.u32 v15, v16;
	_ =	sdelay $0x4  }
0x192: {  	[tilespmem:v15+s17+$0x0] =	vst.idx.msk vm0, v12  }
0x193: {  	s31 =	sadd.s32 $0x30, s25;
	v15 =	vld [tilespmem:s24+$0x10]  }
0x194: {  	v60 =	vmov s31  }
0x195: {  	v61 =	vor.u32 s31, v11;
	v16 =	vshll.u32 v60, $0x3  }
0x196: {  	v17 =	vand.u32 $0x7F, v61;
	v16 =	vand.u32 $0x1C00, v16  }
0x197: {  	v16 =	vor.u32 v16, v17  }
0x198: {  	vm14 =	vge.s32 v15, v13;
	v62 =	vsub.s32 v15, v13;
	v63 =	vshll.u32 v15, $0x7  }
0x199: {  	vm15 =	vlt.s32 v15, v14;
	v15 =	vshll.u32 v62, $0xA;
	v17 =	vand.u32 $0x380, v63  }
0x19a: {  	vm0 =	vmand vm14, vm15;
	v15 =	vand.u32 $0xFFFFE000, v15;
	v16 =	vor.u32 v17, v16  }
0x19b: {  	p1 =	sne.s32 s25, $0x3C0;
	v15 =	vor.u32 v15, v16  }
.Ltmp9:
0x19c: {  	_ = 	snop;
	(pc) =	sbr.rel @p1 .LBB2_15-.Ltmp9, $2  }
0x19d: {  	_ =	sdelay $0x2  }
0x19e: {  	s25 =	sadd.s32 $0x40, s25;
	s24 =	sadd.s32 $0x40, s24;
	[tilespmem:v15+s17+$0x0] =	vst.idx.msk vm0, v12  }
0x19f: {  	s22 =	sadd.s32 $0x1, s22  }
0x1a0: {  	p1 =	sne.s32 s22, $0x9  }
.Ltmp10:
0x1a1: {  	_ = 	snop;
	(pc) =	sbr.rel @p1 .LBB2_7-.Ltmp10, $3  }
0x1a2: {  	s23 =	smul.u32 $0x1400, s23;
	_ =	sdelay $0x1  }
0x1a3: {  	s23 =	sadd.s32 s2, s23  }
0x1a4: {  	[hbm4b:s23+s3] =	stream.linear.scatter [tilespmem:s17], [sflag:$0x1], $0xA000, $0x38;
	[tilespmem:$0x14800] =	vst v63  }
0x1a5: {  	_ =	swait.ge [sflag:s20], $0xA000  }
0x1a6: {  	[sflag:s20] =	ssyncset.done $0x0  }
0x1a7: {  	s22 =	simm.s32 $0x0;
	s23 =	simm.s32 $0x420;
	[sflag:s20] =	ssyncadd.s32 $0xFFFF6000  }
.LBB2_18:
0x1a8: {  	v13 =	vld [tilespmem:s23+$0xFFFFFFE0]  }
0x1a9: {  	v14 =	vmov s22  }
0x1aa: {  	v15 =	vor.u32 s22, v11;
	v14 =	vshll.u32 v14, $0x3  }
0x1ab: {  	v15 =	vand.u32 $0x4F, v15;
	v14 =	vand.u32 $0x1C00, v14  }
0x1ac: {  	v14 =	vor.u32 v14, v15  }
0x1ad: {  	vm0 =	vge.s32 v13, v2;
	v16 =	vsub.s32 v13, v2;
	v15 =	vshll.u32 v13, $0x7  }
0x1ae: {  	vm1 =	vlt.s32 v13, v3;
	v13 =	vshll.u32 v16, $0xA;
	v15 =	vand.u32 $0x380, v15  }
0x1af: {  	vm0 =	vmand vm0, vm1;
	v13 =	vand.u32 $0xFFFFE000, v13;
	v14 =	vor.u32 v15, v14  }
0x1b0: {  	v13 =	vor.u32 v13, v14;
	_ =	sdelay $0x4  }
0x1b1: {  	[tilespmem:v13+s18+$0x0] =	vst.idx.msk vm0, v10  }
0x1b2: {  	s24 =	sadd.s32 $0x10, s22;
	v13 =	vld [tilespmem:s23+$0xFFFFFFF0]  }
0x1b3: {  	v14 =	vmov s24  }
0x1b4: {  	v15 =	vor.u32 s24, v11;
	v14 =	vshll.u32 v14, $0x3  }
0x1b5: {  	v15 =	vand.u32 $0x5F, v15;
	v14 =	vand.u32 $0x1C00, v14  }
0x1b6: {  	v14 =	vor.u32 v14, v15  }
0x1b7: {  	vm10 =	vge.s32 v13, v2;
	v61 =	vsub.s32 v13, v2;
	v15 =	vshll.u32 v13, $0x7  }
0x1b8: {  	vm11 =	vlt.s32 v13, v3;
	v13 =	vshll.u32 v61, $0xA;
	v15 =	vand.u32 $0x380, v15  }
0x1b9: {  	vm0 =	vmand vm10, vm11;
	v13 =	vand.u32 $0xFFFFE000, v13;
	v14 =	vor.u32 v15, v14  }
0x1ba: {  	v13 =	vor.u32 v13, v14;
	_ =	sdelay $0x4  }
0x1bb: {  	[tilespmem:v13+s18+$0x0] =	vst.idx.msk vm0, v10  }
0x1bc: {  	s30 =	sadd.s32 $0x20, s22;
	v13 =	vld [tilespmem:s23+$0x0]  }
0x1bd: {  	v14 =	vmov s30  }
0x1be: {  	v15 =	vor.u32 s30, v11;
	v14 =	vshll.u32 v14, $0x3  }
0x1bf: {  	v15 =	vand.u32 $0x6F, v15;
	v14 =	vand.u32 $0x1C00, v14  }
0x1c0: {  	v14 =	vor.u32 v14, v15  }
0x1c1: {  	vm12 =	vge.s32 v13, v2;
	v62 =	vsub.s32 v13, v2;
	v15 =	vshll.u32 v13, $0x7  }
0x1c2: {  	vm13 =	vlt.s32 v13, v3;
	v13 =	vshll.u32 v62, $0xA;
	v15 =	vand.u32 $0x380, v15  }
0x1c3: {  	vm0 =	vmand vm12, vm13;
	v13 =	vand.u32 $0xFFFFE000, v13;
	v14 =	vor.u32 v15, v14  }
0x1c4: {  	v13 =	vor.u32 v13, v14;
	_ =	sdelay $0x4  }
0x1c5: {  	[tilespmem:v13+s18+$0x0] =	vst.idx.msk vm0, v10  }
0x1c6: {  	s31 =	sadd.s32 $0x30, s22;
	v13 =	vld [tilespmem:s23+$0x10]  }
0x1c7: {  	v14 =	vmov s31  }
0x1c8: {  	v15 =	vor.u32 s31, v11;
	v14 =	vshll.u32 v14, $0x3  }
0x1c9: {  	v15 =	vand.u32 $0x7F, v15;
	v14 =	vand.u32 $0x1C00, v14  }
0x1ca: {  	v14 =	vor.u32 v14, v15  }
0x1cb: {  	vm14 =	vge.s32 v13, v2;
	v63 =	vsub.s32 v13, v2;
	v15 =	vshll.u32 v13, $0x7  }
0x1cc: {  	vm15 =	vlt.s32 v13, v3;
	v13 =	vshll.u32 v63, $0xA;
	v15 =	vand.u32 $0x380, v15  }
0x1cd: {  	vm0 =	vmand vm14, vm15;
	v13 =	vand.u32 $0xFFFFE000, v13;
	v14 =	vor.u32 v15, v14  }
0x1ce: {  	p1 =	sne.s32 s22, $0x3C0;
	v13 =	vor.u32 v13, v14  }
.Ltmp11:
0x1cf: {  	_ = 	snop;
	(pc) =	sbr.rel @p1 .LBB2_18-.Ltmp11, $2  }
0x1d0: {  	_ =	sdelay $0x2  }
0x1d1: {  	s22 =	sadd.s32 $0x40, s22;
	s23 =	sadd.s32 $0x40, s23;
	[tilespmem:v13+s18+$0x0] =	vst.idx.msk vm0, v10  }
0x1d2: {  	[tilespmem:s15], [sflag:$0x3] =	stream.strided.gather [hbm4b:s8+s14], $0x400, s15, s14, $0x38;
	[tilespmem:$0x14800] =	vst v63  }
0x1d3: {  	_ =	swait.ge [sflag:s16], $0x400  }
0x1d4: {  	[sflag:s16] =	ssyncset.done $0x0  }
0x1d5: {  	s22 =	simm.s32 $0x0;
	s23 =	simm.s32 $0x420;
	[sflag:s16] =	ssyncadd.s32 $0xFFFFFC00  }
.LBB2_20:
0x1d6: {  	v13 =	vld [tilespmem:s23+$0xFFFFFFE0]  }
0x1d7: {  	v14 =	vmov s22  }
0x1d8: {  	v15 =	vor.u32 s22, v11;
	v14 =	vshll.u32 v14, $0x3  }
0x1d9: {  	v15 =	vand.u32 $0x4F, v15;
	v14 =	vand.u32 $0x1C00, v14  }
0x1da: {  	v14 =	vor.u32 v14, v15  }
0x1db: {  	vm0 =	vge.s32 v13, v4;
	v16 =	vsub.s32 v13, v4;
	v15 =	vshll.u32 v13, $0x7  }
0x1dc: {  	vm1 =	vlt.s32 v13, v5;
	v13 =	vshll.u32 v16, $0xA;
	v15 =	vand.u32 $0x380, v15  }
0x1dd: {  	vm0 =	vmand vm0, vm1;
	v13 =	vand.u32 $0xFFFFE000, v13;
	v14 =	vor.u32 v15, v14  }
0x1de: {  	v13 =	vor.u32 v13, v14;
	_ =	sdelay $0x4  }
0x1df: {  	[tilespmem:v13+s18+$0x0] =	vst.idx.msk vm0, v12  }
0x1e0: {  	s24 =	sadd.s32 $0x10, s22;
	v13 =	vld [tilespmem:s23+$0xFFFFFFF0]  }
0x1e1: {  	v14 =	vmov s24  }
0x1e2: {  	v15 =	vor.u32 s24, v11;
	v14 =	vshll.u32 v14, $0x3  }
0x1e3: {  	v15 =	vand.u32 $0x5F, v15;
	v14 =	vand.u32 $0x1C00, v14  }
0x1e4: {  	v14 =	vor.u32 v14, v15  }
0x1e5: {  	vm10 =	vge.s32 v13, v4;
	v61 =	vsub.s32 v13, v4;
	v15 =	vshll.u32 v13, $0x7  }
0x1e6: {  	vm11 =	vlt.s32 v13, v5;
	v13 =	vshll.u32 v61, $0xA;
	v15 =	vand.u32 $0x380, v15  }
0x1e7: {  	vm0 =	vmand vm10, vm11;
	v13 =	vand.u32 $0xFFFFE000, v13;
	v14 =	vor.u32 v15, v14  }
0x1e8: {  	v13 =	vor.u32 v13, v14;
	_ =	sdelay $0x4  }
0x1e9: {  	[tilespmem:v13+s18+$0x0] =	vst.idx.msk vm0, v12  }
0x1ea: {  	s30 =	sadd.s32 $0x20, s22;
	v13 =	vld [tilespmem:s23+$0x0]  }
0x1eb: {  	v14 =	vmov s30  }
0x1ec: {  	v15 =	vor.u32 s30, v11;
	v14 =	vshll.u32 v14, $0x3  }
0x1ed: {  	v15 =	vand.u32 $0x6F, v15;
	v14 =	vand.u32 $0x1C00, v14  }
0x1ee: {  	v14 =	vor.u32 v14, v15  }
0x1ef: {  	vm12 =	vge.s32 v13, v4;
	v62 =	vsub.s32 v13, v4;
	v15 =	vshll.u32 v13, $0x7  }
0x1f0: {  	vm13 =	vlt.s32 v13, v5;
	v13 =	vshll.u32 v62, $0xA;
	v15 =	vand.u32 $0x380, v15  }
0x1f1: {  	vm0 =	vmand vm12, vm13;
	v13 =	vand.u32 $0xFFFFE000, v13;
	v14 =	vor.u32 v15, v14  }
0x1f2: {  	v13 =	vor.u32 v13, v14;
	_ =	sdelay $0x4  }
0x1f3: {  	[tilespmem:v13+s18+$0x0] =	vst.idx.msk vm0, v12  }
0x1f4: {  	s31 =	sadd.s32 $0x30, s22;
	v13 =	vld [tilespmem:s23+$0x10]  }
0x1f5: {  	v14 =	vmov s31  }
0x1f6: {  	v15 =	vor.u32 s31, v11;
	v14 =	vshll.u32 v14, $0x3  }
0x1f7: {  	v15 =	vand.u32 $0x7F, v15;
	v14 =	vand.u32 $0x1C00, v14  }
0x1f8: {  	v14 =	vor.u32 v14, v15  }
0x1f9: {  	vm14 =	vge.s32 v13, v4;
	v63 =	vsub.s32 v13, v4;
	v15 =	vshll.u32 v13, $0x7  }
0x1fa: {  	vm15 =	vlt.s32 v13, v5;
	v13 =	vshll.u32 v63, $0xA;
	v15 =	vand.u32 $0x380, v15  }
0x1fb: {  	vm0 =	vmand vm14, vm15;
	v13 =	vand.u32 $0xFFFFE000, v13;
	v14 =	vor.u32 v15, v14  }
0x1fc: {  	p1 =	sne.s32 s22, $0x3C0;
	v13 =	vor.u32 v13, v14  }
.Ltmp12:
0x1fd: {  	_ = 	snop;
	(pc) =	sbr.rel @p1 .LBB2_20-.Ltmp12, $2  }
0x1fe: {  	_ =	sdelay $0x2  }
0x1ff: {  	s22 =	sadd.s32 $0x40, s22;
	s23 =	sadd.s32 $0x40, s23;
	[tilespmem:v13+s18+$0x0] =	vst.idx.msk vm0, v12  }
.Ltmp13:
0x200: {  	(pc) =	sbr.rel @p0 .LBB2_27-.Ltmp13, $2  }
0x201: {  	_ =	sdelay $0x2  }
0x202: {  	[hbm4b:s9+s3] =	stream.linear.scatter [tilespmem:s18], [sflag:$0x2], $0xA000, $0x38;
	[tilespmem:$0x14800] =	vst v63  }
0x203: {  	_ =	swait.ge [sflag:s19], $0xA000  }
0x204: {  	[sflag:s19] =	ssyncset.done $0x0  }
0x205: {  	s22 =	simm.s32 $0x0;
	s23 =	simm.s32 $0x20;
	[sflag:s19] =	ssyncadd.s32 $0xFFFF6000  }
.LBB2_23:
0x206: {  	v13 =	vld [tilespmem:s23+$0xFFFFFFE0]  }
0x207: {  	v14 =	vmov s22  }
0x208: {  	v15 =	vor.u32 s22, v11;
	v14 =	vshll.u32 v14, $0x3  }
0x209: {  	v15 =	vand.u32 $0x4F, v15;
	v14 =	vand.u32 $0x1C00, v14  }
0x20a: {  	v14 =	vor.u32 v14, v15  }
0x20b: {  	vm0 =	vge.s32 v13, v6;
	v16 =	vsub.s32 v13, v6;
	v15 =	vshll.u32 v13, $0x7  }
0x20c: {  	vm1 =	vlt.s32 v13, v7;
	v13 =	vshll.u32 v16, $0xA;
	v15 =	vand.u32 $0x380, v15  }
0x20d: {  	vm0 =	vmand vm0, vm1;
	v13 =	vand.u32 $0xFFFFE000, v13;
	v14 =	vor.u32 v15, v14  }
0x20e: {  	v13 =	vor.u32 v13, v14;
	_ =	sdelay $0x4  }
0x20f: {  	[tilespmem:v13+s17+$0x0] =	vst.idx.msk vm0, v10  }
0x210: {  	s24 =	sadd.s32 $0x10, s22;
	v13 =	vld [tilespmem:s23+$0xFFFFFFF0]  }
0x211: {  	v14 =	vmov s24  }
0x212: {  	v15 =	vor.u32 s24, v11;
	v14 =	vshll.u32 v14, $0x3  }
0x213: {  	v15 =	vand.u32 $0x5F, v15;
	v14 =	vand.u32 $0x1C00, v14  }
0x214: {  	v14 =	vor.u32 v14, v15  }
0x215: {  	vm10 =	vge.s32 v13, v6;
	v61 =	vsub.s32 v13, v6;
	v15 =	vshll.u32 v13, $0x7  }
0x216: {  	vm11 =	vlt.s32 v13, v7;
	v13 =	vshll.u32 v61, $0xA;
	v15 =	vand.u32 $0x380, v15  }
0x217: {  	vm0 =	vmand vm10, vm11;
	v13 =	vand.u32 $0xFFFFE000, v13;
	v14 =	vor.u32 v15, v14  }
0x218: {  	v13 =	vor.u32 v13, v14;
	_ =	sdelay $0x4  }
0x219: {  	[tilespmem:v13+s17+$0x0] =	vst.idx.msk vm0, v10  }
0x21a: {  	s30 =	sadd.s32 $0x20, s22;
	v13 =	vld [tilespmem:s23+$0x0]  }
0x21b: {  	v14 =	vmov s30  }
0x21c: {  	v15 =	vor.u32 s30, v11;
	v14 =	vshll.u32 v14, $0x3  }
0x21d: {  	v15 =	vand.u32 $0x6F, v15;
	v14 =	vand.u32 $0x1C00, v14  }
0x21e: {  	v14 =	vor.u32 v14, v15  }
0x21f: {  	vm12 =	vge.s32 v13, v6;
	v62 =	vsub.s32 v13, v6;
	v15 =	vshll.u32 v13, $0x7  }
0x220: {  	vm13 =	vlt.s32 v13, v7;
	v13 =	vshll.u32 v62, $0xA;
	v15 =	vand.u32 $0x380, v15  }
0x221: {  	vm0 =	vmand vm12, vm13;
	v13 =	vand.u32 $0xFFFFE000, v13;
	v14 =	vor.u32 v15, v14  }
0x222: {  	v13 =	vor.u32 v13, v14;
	_ =	sdelay $0x4  }
0x223: {  	[tilespmem:v13+s17+$0x0] =	vst.idx.msk vm0, v10  }
0x224: {  	s31 =	sadd.s32 $0x30, s22;
	v13 =	vld [tilespmem:s23+$0x10]  }
0x225: {  	v14 =	vmov s31  }
0x226: {  	v15 =	vor.u32 s31, v11;
	v14 =	vshll.u32 v14, $0x3  }
0x227: {  	v15 =	vand.u32 $0x7F, v15;
	v14 =	vand.u32 $0x1C00, v14  }
0x228: {  	v14 =	vor.u32 v14, v15  }
0x229: {  	vm14 =	vge.s32 v13, v6;
	v63 =	vsub.s32 v13, v6;
	v15 =	vshll.u32 v13, $0x7  }
0x22a: {  	vm15 =	vlt.s32 v13, v7;
	v13 =	vshll.u32 v63, $0xA;
	v15 =	vand.u32 $0x380, v15  }
0x22b: {  	vm0 =	vmand vm14, vm15;
	v13 =	vand.u32 $0xFFFFE000, v13;
	v14 =	vor.u32 v15, v14  }
0x22c: {  	p1 =	sne.s32 s22, $0x3C0;
	v13 =	vor.u32 v13, v14  }
.Ltmp14:
0x22d: {  	_ = 	snop;
	(pc) =	sbr.rel @p1 .LBB2_23-.Ltmp14, $2  }
0x22e: {  	_ =	sdelay $0x2  }
0x22f: {  	s22 =	sadd.s32 $0x40, s22;
	s23 =	sadd.s32 $0x40, s23;
	[tilespmem:v13+s17+$0x0] =	vst.idx.msk vm0, v10  }
0x230: {  	s22 =	simm.s32 $0x0  }
0x231: {  	[tilespmem:s22], [sflag:$0x3] =	stream.strided.gather [hbm4b:s10+s14], $0x400, s15, s14, $0x38;
	[tilespmem:$0x14800] =	vst v63  }
0x232: {  	_ =	swait.ge [sflag:s16], $0x400  }
0x233: {  	[sflag:s16] =	ssyncset.done $0x0  }
0x234: {  	s23 =	simm.s32 $0x20;
	[sflag:s16] =	ssyncadd.s32 $0xFFFFFC00  }
.LBB2_25:
0x235: {  	v13 =	vld [tilespmem:s23+$0xFFFFFFE0]  }
0x236: {  	v14 =	vmov s22  }
0x237: {  	v15 =	vor.u32 s22, v11;
	v14 =	vshll.u32 v14, $0x3  }
0x238: {  	v15 =	vand.u32 $0x4F, v15;
	v14 =	vand.u32 $0x1C00, v14  }
0x239: {  	v14 =	vor.u32 v14, v15  }
0x23a: {  	vm0 =	vge.s32 v13, v8;
	v16 =	vsub.s32 v13, v8;
	v15 =	vshll.u32 v13, $0x7  }
0x23b: {  	vm1 =	vlt.s32 v13, v9;
	v13 =	vshll.u32 v16, $0xA;
	v15 =	vand.u32 $0x380, v15  }
0x23c: {  	vm0 =	vmand vm0, vm1;
	v13 =	vand.u32 $0xFFFFE000, v13;
	v14 =	vor.u32 v15, v14  }
0x23d: {  	v13 =	vor.u32 v13, v14;
	_ =	sdelay $0x4  }
0x23e: {  	[tilespmem:v13+s17+$0x0] =	vst.idx.msk vm0, v12  }
0x23f: {  	s24 =	sadd.s32 $0x10, s22;
	v13 =	vld [tilespmem:s23+$0xFFFFFFF0]  }
0x240: {  	v14 =	vmov s24  }
0x241: {  	v15 =	vor.u32 s24, v11;
	v14 =	vshll.u32 v14, $0x3  }
0x242: {  	v15 =	vand.u32 $0x5F, v15;
	v14 =	vand.u32 $0x1C00, v14  }
0x243: {  	v14 =	vor.u32 v14, v15  }
0x244: {  	vm10 =	vge.s32 v13, v8;
	v61 =	vsub.s32 v13, v8;
	v15 =	vshll.u32 v13, $0x7  }
0x245: {  	vm11 =	vlt.s32 v13, v9;
	v13 =	vshll.u32 v61, $0xA;
	v15 =	vand.u32 $0x380, v15  }
0x246: {  	vm0 =	vmand vm10, vm11;
	v13 =	vand.u32 $0xFFFFE000, v13;
	v14 =	vor.u32 v15, v14  }
0x247: {  	v13 =	vor.u32 v13, v14;
	_ =	sdelay $0x4  }
0x248: {  	[tilespmem:v13+s17+$0x0] =	vst.idx.msk vm0, v12  }
0x249: {  	s30 =	sadd.s32 $0x20, s22;
	v13 =	vld [tilespmem:s23+$0x0]  }
0x24a: {  	v14 =	vmov s30  }
0x24b: {  	v15 =	vor.u32 s30, v11;
	v14 =	vshll.u32 v14, $0x3  }
0x24c: {  	v15 =	vand.u32 $0x6F, v15;
	v14 =	vand.u32 $0x1C00, v14  }
0x24d: {  	v14 =	vor.u32 v14, v15  }
0x24e: {  	vm12 =	vge.s32 v13, v8;
	v62 =	vsub.s32 v13, v8;
	v15 =	vshll.u32 v13, $0x7  }
0x24f: {  	vm13 =	vlt.s32 v13, v9;
	v13 =	vshll.u32 v62, $0xA;
	v15 =	vand.u32 $0x380, v15  }
0x250: {  	vm0 =	vmand vm12, vm13;
	v13 =	vand.u32 $0xFFFFE000, v13;
	v14 =	vor.u32 v15, v14  }
0x251: {  	v13 =	vor.u32 v13, v14;
	_ =	sdelay $0x4  }
0x252: {  	[tilespmem:v13+s17+$0x0] =	vst.idx.msk vm0, v12  }
0x253: {  	s31 =	sadd.s32 $0x30, s22;
	v13 =	vld [tilespmem:s23+$0x10]  }
0x254: {  	v14 =	vmov s31  }
0x255: {  	v15 =	vor.u32 s31, v11;
	v14 =	vshll.u32 v14, $0x3  }
0x256: {  	v15 =	vand.u32 $0x7F, v15;
	v14 =	vand.u32 $0x1C00, v14  }
0x257: {  	v14 =	vor.u32 v14, v15  }
0x258: {  	vm14 =	vge.s32 v13, v8;
	v63 =	vsub.s32 v13, v8;
	v15 =	vshll.u32 v13, $0x7  }
0x259: {  	vm15 =	vlt.s32 v13, v9;
	v13 =	vshll.u32 v63, $0xA;
	v15 =	vand.u32 $0x380, v15  }
0x25a: {  	vm0 =	vmand vm14, vm15;
	v13 =	vand.u32 $0xFFFFE000, v13;
	v14 =	vor.u32 v15, v14  }
0x25b: {  	p1 =	sne.s32 s22, $0x3C0;
	v13 =	vor.u32 v13, v14  }
.Ltmp15:
0x25c: {  	_ = 	snop;
	(pc) =	sbr.rel @p1 .LBB2_25-.Ltmp15, $2  }
0x25d: {  	_ =	sdelay $0x2  }
0x25e: {  	s22 =	sadd.s32 $0x40, s22;
	s23 =	sadd.s32 $0x40, s23;
	[tilespmem:v13+s17+$0x0] =	vst.idx.msk vm0, v12  }
.Ltmp16:
0x25f: {  	(pc) =	sbr.rel .LBB2_27-.Ltmp16, $2  }
0x260: {  	_ =	sdelay $0x2  }
0x261: {  	[hbm4b:s11+s3] =	stream.linear.scatter [tilespmem:s17], [sflag:$0x1], $0xA000, $0x38;
	[tilespmem:$0x14800] =	vst v63  }
.LBB2_28:
0x262: {  	_ =	sfence.sel $0x180000  }
0x263: {  	[bflag:$0x0] =	sbarrier.arrive $0xFFFF  }
0x264: {  	p0 =	sne.s32 s0, $0x0;
	_ =	strace $0x90000047  }
0x265: {  	s0 =	sadd.s32 @!p0 $0x100000, s1;
	[bflag:$0x2] =	sbarrier.arrive $0xFFFF  }
0x266: {  	[sflag:s0] =	ssyncadd.tile.s32 @!p0 $0x1;
	_ =	shalt  }
.Lfunc_end2:
_tile_overlayer_lowered:
.L_overlay_start_2:
0x267: {  	(tag) =	ssettag $0x2  }
0x268: {  	s0 =	rddreg [dreg:$0x0];
	s2 =	stileid.u32  }
0x269: {  	s1 =	rddreg [dreg:$0x1];
	p0 =	sne.s32 s2, $0x0  }
0x26a: {  	s3 =	rddreg [dreg:$0x2];
	[bflag:$0x3] =	sbarrier.arrive $0xFFFF;
	s2 =	simm.s32 @!p0 $0x1C03  }
0x26b: {  	[timem:s3], [sflag:s2] =	dma.local @!p0 [hbm:s0], s1  }
0x26c: {  	s0 =	simm.s32 @!p0 $0x3  }
0x26d: {  	_ =	swait.ge @!p0 [sflag:s0], s1  }
0x26e: {  	s1 =	ssub.s32 @!p0 $0x0, s1;
	[sflag:s0] =	ssyncset.done @!p0 $0x0  }
0x26f: {  	[sflag:s0] =	ssyncadd.s32 @!p0 s1  }
0x270: {  	[bflag:$0x3] =	sbarrier.arrive $0xFFFF  }
0x271: {  	_ =	shalt  }

</sc_bundles>
